<compile_context>
chip_gen: v7x
topology: tpu7x:2x2x1
jax: 0.10.2.dev20260603
libtpu: 0.0.44.dev20260713+nightly
codegen_flags: <defaults>
</compile_context>

<pallas_src>
import math
import functools

import jax
import jax.numpy as jnp
import numpy as np
from jax import lax
from jax.experimental import pallas as pl
from jax.experimental.pallas import tpu as pltpu
from jax.experimental.pallas import tpu_sc as plsc

VOCAB = 100000
D_MODEL = 128
SEQ = 200
BATCH = 4096

NUM_CORES = 2
NUM_SUBCORES = 16
NUM_WORKERS = NUM_CORES * NUM_SUBCORES

TOKENS = BATCH * SEQ
TOK_PER_W = TOKENS // NUM_WORKERS
SEQ_PER_W = TOK_PER_W // SEQ
NSLOTS = 4
SEQS_PER_CHUNK = 1
CH = SEQS_PER_CHUNK * SEQ
CHUNKS_PER_W = TOK_PER_W // CH
GATHER_SPLITS = [
    (s * SEQ + off, n) for s in range(SEQS_PER_CHUNK) for off, n in ((0, 104), (104, 96))
]
NP = len(GATHER_SPLITS)


def _positional_encoding():
    position = np.arange(0, SEQ, dtype=np.float64)[:, None]
    div_term = np.exp(
        np.arange(0, D_MODEL, 2, dtype=np.float64) * -(math.log(10000.0) / D_MODEL)
    )
    pe = np.zeros((SEQ, D_MODEL), dtype=np.float32)
    pe[:, 0::2] = np.sin(position * div_term).astype(np.float32)
    pe[:, 1::2] = np.cos(position * div_term).astype(np.float32)
    return pe


@functools.cache
def _build_emb_kernel():
    mesh = plsc.VectorSubcoreMesh(
        core_axis_name="c",
        subcore_axis_name="s",
        num_cores=NUM_CORES,
        num_subcores=NUM_SUBCORES,
    )
    return functools.partial(
        pl.kernel,
        out_type=jax.ShapeDtypeStruct((TOKENS, D_MODEL), jnp.float32),
        mesh=mesh,
        scratch_types=[
            pltpu.VMEM_SHARED((SEQ, D_MODEL), jnp.float32),
            *([pltpu.VMEM((CH,), jnp.int32)] * NSLOTS),
            *([pltpu.VMEM((CH, D_MODEL), jnp.float32)] * NSLOTS),
            *([pltpu.SemaphoreType.DMA] * (NSLOTS * NP)),
            *([pltpu.SemaphoreType.DMA] * NSLOTS),
            *([pltpu.SemaphoreType.DMA] * (NSLOTS * NP)),
            *([pltpu.SemaphoreType.DMA] * (NSLOTS * NP)),
        ],
    )(_emb_body)


def _emb_body(x_hbm, emb_hbm, pe_hbm, out_hbm, pe_sh, *refs):
    cid = lax.axis_index("c")
    sid = lax.axis_index("s")
    wid = sid * NUM_CORES + cid
    base0 = wid * TOK_PER_W

    idx = refs[0:NSLOTS]
    rows = refs[NSLOTS:2 * NSLOTS]
    sems = refs[2 * NSLOTS:]

    def chop(seq, n):
        return [seq[j * n:(j + 1) * n] for j in range(NSLOTS)]

    sem_pre = chop(sems[0:NSLOTS * NP], NP)
    sem_idx = sems[NSLOTS * NP:NSLOTS * NP + NSLOTS]
    sem_g = chop(sems[NSLOTS * NP + NSLOTS:NSLOTS * (2 * NP + 1)], NP)
    sem_out = chop(sems[NSLOTS * (2 * NP + 1):], NP)

    @pl.when(sid == 0)
    def _():
        pltpu.sync_copy(pe_hbm, pe_sh)

    plsc.subcore_barrier()

    @pl.loop(0, CHUNKS_PER_W // NSLOTS)
    def _it(i):
        pres = []
        idxs = []
        for b in range(NSLOTS):
            base = base0 + (NSLOTS * i + b) * CH
            for k, (off, n) in enumerate(GATHER_SPLITS):
                @pl.when(i >= 1)
                def _(b=b, k=k, off=off, n=n, base=base):
                    pltpu.make_async_copy(
                        rows[b].at[pl.ds(off, n)],
                        out_hbm.at[pl.ds(base + off, n)],
                        sem_out[b][k],
                    ).wait()

            pres.append([
                pltpu.async_copy(
                    pe_sh.at[pl.ds(off % SEQ, n)],
                    rows[b].at[pl.ds(off, n)],
                    sem_pre[b][k],
                )
                for k, (off, n) in enumerate(GATHER_SPLITS)
            ])
            idxs.append(
                pltpu.async_copy(x_hbm.at[pl.ds(base, CH)], idx[b], sem_idx[b])
            )

        gathers = []
        for b in range(NSLOTS):
            idxs[b].wait()
            gs = []
            for k, (off, n) in enumerate(GATHER_SPLITS):
                pres[b][k].wait()
                gs.append(
                    pltpu.async_copy(
                        emb_hbm.at[idx[b].at[pl.ds(off, n)]],
                        rows[b].at[pl.ds(off, n)],
                        sem_g[b][k],
                        add=True,
                    )
                )
            gathers.append(gs)

        for b in range(NSLOTS):
            base = base0 + (NSLOTS * i + b) * CH
            for k, (off, n) in enumerate(GATHER_SPLITS):
                gathers[b][k].wait()
                pltpu.async_copy(
                    rows[b].at[pl.ds(off, n)],
                    out_hbm.at[pl.ds(base + off, n)],
                    sem_out[b][k],
                )

    for b in range(NSLOTS):
        base = base0 + (CHUNKS_PER_W - NSLOTS + b) * CH
        for k, (off, n) in enumerate(GATHER_SPLITS):
            pltpu.make_async_copy(
                rows[b].at[pl.ds(off, n)],
                out_hbm.at[pl.ds(base + off, n)],
                sem_out[b][k],
            ).wait()


_PE = _positional_encoding()


def kernel(x, token_emb):
    out = _build_emb_kernel()(x.reshape(-1), token_emb, jnp.asarray(_PE))
    return out.reshape(BATCH, SEQ, D_MODEL)

# --- scband reference (transcript-rebuilt; emitter-appended) ---
"""Pipeline reference for scband-transformer-embedding-38345468018783 (READ-ONLY COPY).

The authoritative reference and input builder live on the scoring server;
editing this copy changes nothing except your own understanding.
"""

import jax, jax.numpy as jnp
import numpy as np
import math

VOCAB = 100000
D_MODEL = 128
MAX_LEN = 200
BATCH = 4096
SEQ = 200


def get_positional_encoding(max_len, d_model):
    position = np.arange(0, max_len, dtype=np.float64)[:, None]
    div_term = np.exp(np.arange(0, d_model, 2, dtype=np.float64) * -(math.log(10000.0) / d_model))
    pe = np.zeros((max_len, d_model), dtype=np.float32)
    pe[:, 0::2] = np.sin(position * div_term).astype(np.float32)
    pe[:, 1::2] = np.cos(position * div_term).astype(np.float32)
    return jnp.asarray(pe)[None, :, :]  # [1, max_len, d_model]


def setup_inputs(seed: int = 0) -> dict:
    key = jax.random.key(seed)
    k1, k2 = jax.random.split(key)
    x = jax.random.randint(k1, (BATCH, SEQ), 0, VOCAB, dtype=jnp.int32)
    # learned embedding table (nn.Embedding default init ~ N(0,1))
    token_emb = jax.random.normal(k2, (VOCAB, D_MODEL), dtype=jnp.float32)
    return {"x": x, "token_emb": token_emb}


def reference(x, token_emb):
    pe = get_positional_encoding(MAX_LEN, D_MODEL)  # [1, max_len, d_model]
    # faithful to torch: positional_encoding[:x.size(1), :] slices axis 0 (size 1)
    emb = jnp.take(token_emb, x, axis=0)  # [B, S, d_model]
    out = emb + pe[: x.shape[1], :]  # broadcasts since MAX_LEN == SEQ
    # dropout is identity in eval/inference mode
    return out

if __name__ == "__main__":
    import jax
    _d = setup_inputs()
    print(jax.jit(kernel)(*tuple(_d.values())))

</pallas_src>

<mosaic_0001>
#map = affine_map<(d0, d1) -> (0)>
#map1 = affine_map<(d0, d1) -> (0, 0)>
module attributes {stable_mosaic.version = 14 : i64} {
  func.func @_emb_body(%arg0: i32, %arg1: i32, %arg2: memref<819200xi32, #tpu.memory_space<hbm>>, %arg3: memref<100000x128xf32, #tpu.memory_space<hbm>>, %arg4: memref<200x128xf32, #tpu.memory_space<hbm>>, %arg5: memref<819200x128xf32, #tpu.memory_space<hbm>>, %arg6: memref<200x128xf32, #tpu.memory_space<vmem_shared>>, %arg7: memref<200xi32, #tpu.memory_space<vmem>>, %arg8: memref<200xi32, #tpu.memory_space<vmem>>, %arg9: memref<200xi32, #tpu.memory_space<vmem>>, %arg10: memref<200xi32, #tpu.memory_space<vmem>>, %arg11: memref<200x128xf32, #tpu.memory_space<vmem>>, %arg12: memref<200x128xf32, #tpu.memory_space<vmem>>, %arg13: memref<200x128xf32, #tpu.memory_space<vmem>>, %arg14: memref<200x128xf32, #tpu.memory_space<vmem>>, %arg15: memref<!tpu.dma_semaphore, #tpu.memory_space<semaphore_mem>>, %arg16: memref<!tpu.dma_semaphore, #tpu.memory_space<semaphore_mem>>, %arg17: memref<!tpu.dma_semaphore, #tpu.memory_space<semaphore_mem>>, %arg18: memref<!tpu.dma_semaphore, #tpu.memory_space<semaphore_mem>>, %arg19: memref<!tpu.dma_semaphore, #tpu.memory_space<semaphore_mem>>, %arg20: memref<!tpu.dma_semaphore, #tpu.memory_space<semaphore_mem>>, %arg21: memref<!tpu.dma_semaphore, #tpu.memory_space<semaphore_mem>>, %arg22: memref<!tpu.dma_semaphore, #tpu.memory_space<semaphore_mem>>, %arg23: memref<!tpu.dma_semaphore, #tpu.memory_space<semaphore_mem>>, %arg24: memref<!tpu.dma_semaphore, #tpu.memory_space<semaphore_mem>>, %arg25: memref<!tpu.dma_semaphore, #tpu.memory_space<semaphore_mem>>, %arg26: memref<!tpu.dma_semaphore, #tpu.memory_space<semaphore_mem>>, %arg27: memref<!tpu.dma_semaphore, #tpu.memory_space<semaphore_mem>>, %arg28: memref<!tpu.dma_semaphore, #tpu.memory_space<semaphore_mem>>, %arg29: memref<!tpu.dma_semaphore, #tpu.memory_space<semaphore_mem>>, %arg30: memref<!tpu.dma_semaphore, #tpu.memory_space<semaphore_mem>>, %arg31: memref<!tpu.dma_semaphore, #tpu.memory_space<semaphore_mem>>, %arg32: memref<!tpu.dma_semaphore, #tpu.memory_space<semaphore_mem>>, %arg33: memref<!tpu.dma_semaphore, #tpu.memory_space<semaphore_mem>>, %arg34: memref<!tpu.dma_semaphore, #tpu.memory_space<semaphore_mem>>, %arg35: memref<!tpu.dma_semaphore, #tpu.memory_space<semaphore_mem>>, %arg36: memref<!tpu.dma_semaphore, #tpu.memory_space<semaphore_mem>>, %arg37: memref<!tpu.dma_semaphore, #tpu.memory_space<semaphore_mem>>, %arg38: memref<!tpu.dma_semaphore, #tpu.memory_space<semaphore_mem>>, %arg39: memref<!tpu.dma_semaphore, #tpu.memory_space<semaphore_mem>>, %arg40: memref<!tpu.dma_semaphore, #tpu.memory_space<semaphore_mem>>, %arg41: memref<!tpu.dma_semaphore, #tpu.memory_space<semaphore_mem>>, %arg42: memref<!tpu.dma_semaphore, #tpu.memory_space<semaphore_mem>>) attributes {dimension_semantics = [#tpu.dimension_semantics<core_parallel>, #tpu.dimension_semantics<subcore_parallel>], iteration_bounds = array<i64: 2, 16>, scalar_prefetch = 0 : i64, scratch_operands = 37 : i64, tpu.core_type = #tpu.core_type<sc_vector_subcore>, window_params = [{transform_indices = #map}, {transform_indices = #map1}, {transform_indices = #map1}, {transform_indices = #map1}]} {
    %mul3A = arith.constant 2 : i32
    %mul3A_0 = arith.muli %arg1, %mul3A : i32
    %add3A = arith.addi %mul3A_0, %arg0 : i32
    %mul3A_1 = arith.constant 25600 : i32
    %mul3A_2 = arith.muli %add3A, %mul3A_1 : i32
    %eq3A = arith.constant 0 : i32
    %eq3A_3 = arith.cmpi eq, %arg1, %eq3A : i32
    %convert_element_type3A = arith.extui %eq3A_3 : i1 to i32
    %cond3A = arith.constant 0 : i32
    %cond3A_4 = arith.cmpi ne, %convert_element_type3A, %cond3A : i32
    scf.if %cond3A_4 {
      "tpu.region"() ({
        %run_scoped3A = tpu.sem_alloc : memref<!tpu.dma_semaphore, #tpu.memory_space<semaphore_mem>>
        tpu.enqueue_dma source(%arg4 : memref<200x128xf32, #tpu.memory_space<hbm>>) target(%arg6 : memref<200x128xf32, #tpu.memory_space<vmem_shared>>) target_semaphore(%run_scoped3A : memref<!tpu.dma_semaphore, #tpu.memory_space<semaphore_mem>>)
        tpu.wait_dma2 semaphore(%run_scoped3A : memref<!tpu.dma_semaphore, #tpu.memory_space<semaphore_mem>>) src(%arg4 : memref<200x128xf32, #tpu.memory_space<hbm>>) dst(%arg6 : memref<200x128xf32, #tpu.memory_space<vmem_shared>>)
        tpu.yield
      }) : () -> ()
    } else {
    }
    %barrier3A = arith.constant 0 : index
    tpu.barrier barrier_id(%barrier3A)
    %scan3A = arith.constant 0 : i32
    %scan3A_5 = arith.constant 32 : i32
    %scan3A_6 = arith.addi %scan3A, %scan3A_5 : i32
    %scan3A_7 = arith.constant 1 : i32
    scf.for %scan3A_112 = %scan3A to %scan3A_6 step %scan3A_7  : i32 {
      %mul3A_113 = arith.constant 1 : i32
      %mul3A_114 = arith.muli %scan3A_112, %mul3A_113 : i32
      %add3A_115 = arith.constant 0 : i32
      %add3A_116 = arith.addi %add3A_115, %mul3A_114 : i32
      %mul3A_117 = arith.constant 4 : i32
      %mul3A_118 = arith.muli %mul3A_117, %add3A_116 : i32
      %add3A_119 = arith.constant 0 : i32
      %add3A_120 = arith.addi %mul3A_118, %add3A_119 : i32
      %mul3A_121 = arith.constant 200 : i32
      %mul3A_122 = arith.muli %add3A_120, %mul3A_121 : i32
      %add3A_123 = arith.addi %mul3A_2, %mul3A_122 : i32
      %ge3A = arith.constant 1 : i32
      %ge3A_124 = arith.cmpi sge, %add3A_116, %ge3A : i32
      %convert_element_type3A_125 = arith.extui %ge3A_124 : i1 to i32
      %cond3A_126 = arith.constant 0 : i32
      %cond3A_127 = arith.cmpi ne, %convert_element_type3A_125, %cond3A_126 : i32
      scf.if %cond3A_127 {
        %add3A_643 = arith.constant 0 : i32
        %add3A_644 = arith.addi %add3A_123, %add3A_643 : i32
        %dma_wait3A_645 = arith.constant 0 : i32
        %dma_wait3A_646 = arith.constant 0 : i32
        %dma_wait3A_647 = tpu.memref_slice %arg11[%dma_wait3A_645, %dma_wait3A_646] : memref<200x128xf32, #tpu.memory_space<vmem>> -> memref<104x128xf32, #tpu.memory_space<vmem>>
        %dma_wait3A_648 = arith.constant 0 : i32
        %dma_wait3A_649 = tpu.memref_slice %arg5[%add3A_644, %dma_wait3A_648] : memref<819200x128xf32, #tpu.memory_space<hbm>> -> memref<104x128xf32, #tpu.memory_space<hbm>>
        %dma_wait3A_650 = arith.constant 0 : i32
        %dma_wait3A_651 = tpu.memref_slice %arg5[%add3A_644, %dma_wait3A_650] : memref<819200x128xf32, #tpu.memory_space<hbm>> -> memref<104x128xf32, #tpu.memory_space<hbm>>
        %dma_wait3A_652 = arith.constant 0 : i32
        %dma_wait3A_653 = arith.constant 0 : i32
        %dma_wait3A_654 = tpu.memref_slice %arg11[%dma_wait3A_652, %dma_wait3A_653] : memref<200x128xf32, #tpu.memory_space<vmem>> -> memref<104x128xf32, #tpu.memory_space<vmem>>
        tpu.wait_dma2 semaphore(%arg35 : memref<!tpu.dma_semaphore, #tpu.memory_space<semaphore_mem>>) src(%dma_wait3A_654 : memref<104x128xf32, #tpu.memory_space<vmem>>) dst(%dma_wait3A_651 : memref<104x128xf32, #tpu.memory_space<hbm>>)
      } else {
      }
      %ge3A_128 = arith.constant 1 : i32
      %ge3A_129 = arith.cmpi sge, %add3A_116, %ge3A_128 : i32
      %convert_element_type3A_130 = arith.extui %ge3A_129 : i1 to i32
      %cond3A_131 = arith.constant 0 : i32
      %cond3A_132 = arith.cmpi ne, %convert_element_type3A_130, %cond3A_131 : i32
      scf.if %cond3A_132 {
        %add3A_643 = arith.constant 104 : i32
        %add3A_644 = arith.addi %add3A_123, %add3A_643 : i32
        %dma_wait3A_645 = arith.constant 104 : i32
        %dma_wait3A_646 = arith.constant 0 : i32
        %dma_wait3A_647 = tpu.memref_slice %arg11[%dma_wait3A_645, %dma_wait3A_646] : memref<200x128xf32, #tpu.memory_space<vmem>> -> memref<96x128xf32, #tpu.memory_space<vmem>>
        %dma_wait3A_648 = arith.constant 0 : i32
        %dma_wait3A_649 = tpu.memref_slice %arg5[%add3A_644, %dma_wait3A_648] : memref<819200x128xf32, #tpu.memory_space<hbm>> -> memref<96x128xf32, #tpu.memory_space<hbm>>
        %dma_wait3A_650 = arith.constant 0 : i32
        %dma_wait3A_651 = tpu.memref_slice %arg5[%add3A_644, %dma_wait3A_650] : memref<819200x128xf32, #tpu.memory_space<hbm>> -> memref<96x128xf32, #tpu.memory_space<hbm>>
        %dma_wait3A_652 = arith.constant 104 : i32
        %dma_wait3A_653 = arith.constant 0 : i32
        %dma_wait3A_654 = tpu.memref_slice %arg11[%dma_wait3A_652, %dma_wait3A_653] : memref<200x128xf32, #tpu.memory_space<vmem>> -> memref<96x128xf32, #tpu.memory_space<vmem>>
        tpu.wait_dma2 semaphore(%arg36 : memref<!tpu.dma_semaphore, #tpu.memory_space<semaphore_mem>>) src(%dma_wait3A_654 : memref<96x128xf32, #tpu.memory_space<vmem>>) dst(%dma_wait3A_651 : memref<96x128xf32, #tpu.memory_space<hbm>>)
      } else {
      }
      %dma_start3A = arith.constant 0 : i32
      %dma_start3A_133 = arith.constant 0 : i32
      %dma_start3A_134 = tpu.memref_slice %arg11[%dma_start3A, %dma_start3A_133] : memref<200x128xf32, #tpu.memory_space<vmem>> -> memref<104x128xf32, #tpu.memory_space<vmem>>
      %dma_start3A_135 = arith.constant 0 : i32
      %dma_start3A_136 = arith.constant 0 : i32
      %dma_start3A_137 = tpu.memref_slice %arg6[%dma_start3A_135, %dma_start3A_136] : memref<200x128xf32, #tpu.memory_space<vmem_shared>> -> memref<104x128xf32, #tpu.memory_space<vmem_shared>>
      %dma_start3A_138 = arith.constant 0 : i32
      %dma_start3A_139 = arith.constant 0 : i32
      %dma_start3A_140 = tpu.memref_slice %arg11[%dma_start3A_138, %dma_start3A_139] : memref<200x128xf32, #tpu.memory_space<vmem>> -> memref<104x128xf32, #tpu.memory_space<vmem>>
      %dma_start3A_141 = arith.constant 0 : i32
      %dma_start3A_142 = arith.constant 0 : i32
      %dma_start3A_143 = tpu.memref_slice %arg6[%dma_start3A_141, %dma_start3A_142] : memref<200x128xf32, #tpu.memory_space<vmem_shared>> -> memref<104x128xf32, #tpu.memory_space<vmem_shared>>
      tpu.enqueue_dma source(%dma_start3A_143 : memref<104x128xf32, #tpu.memory_space<vmem_shared>>) target(%dma_start3A_140 : memref<104x128xf32, #tpu.memory_space<vmem>>) target_semaphore(%arg15 : memref<!tpu.dma_semaphore, #tpu.memory_space<semaphore_mem>>)
      %dma_start3A_144 = arith.constant 104 : i32
      %dma_start3A_145 = arith.constant 0 : i32
      %dma_start3A_146 = tpu.memref_slice %arg11[%dma_start3A_144, %dma_start3A_145] : memref<200x128xf32, #tpu.memory_space<vmem>> -> memref<96x128xf32, #tpu.memory_space<vmem>>
      %dma_start3A_147 = arith.constant 104 : i32
      %dma_start3A_148 = arith.constant 0 : i32
      %dma_start3A_149 = tpu.memref_slice %arg6[%dma_start3A_147, %dma_start3A_148] : memref<200x128xf32, #tpu.memory_space<vmem_shared>> -> memref<96x128xf32, #tpu.memory_space<vmem_shared>>
      %dma_start3A_150 = arith.constant 104 : i32
      %dma_start3A_151 = arith.constant 0 : i32
      %dma_start3A_152 = tpu.memref_slice %arg11[%dma_start3A_150, %dma_start3A_151] : memref<200x128xf32, #tpu.memory_space<vmem>> -> memref<96x128xf32, #tpu.memory_space<vmem>>
      %dma_start3A_153 = arith.constant 104 : i32
      %dma_start3A_154 = arith.constant 0 : i32
      %dma_start3A_155 = tpu.memref_slice %arg6[%dma_start3A_153, %dma_start3A_154] : memref<200x128xf32, #tpu.memory_space<vmem_shared>> -> memref<96x128xf32, #tpu.memory_space<vmem_shared>>
      tpu.enqueue_dma source(%dma_start3A_155 : memref<96x128xf32, #tpu.memory_space<vmem_shared>>) target(%dma_start3A_152 : memref<96x128xf32, #tpu.memory_space<vmem>>) target_semaphore(%arg16 : memref<!tpu.dma_semaphore, #tpu.memory_space<semaphore_mem>>)
      %dma_start3A_156 = tpu.memref_slice %arg2[%add3A_123] : memref<819200xi32, #tpu.memory_space<hbm>> -> memref<200xi32, #tpu.memory_space<hbm>>
      %dma_start3A_157 = tpu.memref_slice %arg2[%add3A_123] : memref<819200xi32, #tpu.memory_space<hbm>> -> memref<200xi32, #tpu.memory_space<hbm>>
      tpu.enqueue_dma source(%dma_start3A_157 : memref<200xi32, #tpu.memory_space<hbm>>) target(%arg7 : memref<200xi32, #tpu.memory_space<vmem>>) target_semaphore(%arg23 : memref<!tpu.dma_semaphore, #tpu.memory_space<semaphore_mem>>)
      %mul3A_158 = arith.constant 4 : i32
      %mul3A_159 = arith.muli %mul3A_158, %add3A_116 : i32
      %add3A_160 = arith.constant 1 : i32
      %add3A_161 = arith.addi %mul3A_159, %add3A_160 : i32
      %mul3A_162 = arith.constant 200 : i32
      %mul3A_163 = arith.muli %add3A_161, %mul3A_162 : i32
      %add3A_164 = arith.addi %mul3A_2, %mul3A_163 : i32
      %ge3A_165 = arith.constant 1 : i32
      %ge3A_166 = arith.cmpi sge, %add3A_116, %ge3A_165 : i32
      %convert_element_type3A_167 = arith.extui %ge3A_166 : i1 to i32
      %cond3A_168 = arith.constant 0 : i32
      %cond3A_169 = arith.cmpi ne, %convert_element_type3A_167, %cond3A_168 : i32
      scf.if %cond3A_169 {
        %add3A_643 = arith.constant 0 : i32
        %add3A_644 = arith.addi %add3A_164, %add3A_643 : i32
        %dma_wait3A_645 = arith.constant 0 : i32
        %dma_wait3A_646 = arith.constant 0 : i32
        %dma_wait3A_647 = tpu.memref_slice %arg12[%dma_wait3A_645, %dma_wait3A_646] : memref<200x128xf32, #tpu.memory_space<vmem>> -> memref<104x128xf32, #tpu.memory_space<vmem>>
        %dma_wait3A_648 = arith.constant 0 : i32
        %dma_wait3A_649 = tpu.memref_slice %arg5[%add3A_644, %dma_wait3A_648] : memref<819200x128xf32, #tpu.memory_space<hbm>> -> memref<104x128xf32, #tpu.memory_space<hbm>>
        %dma_wait3A_650 = arith.constant 0 : i32
        %dma_wait3A_651 = tpu.memref_slice %arg5[%add3A_644, %dma_wait3A_650] : memref<819200x128xf32, #tpu.memory_space<hbm>> -> memref<104x128xf32, #tpu.memory_space<hbm>>
        %dma_wait3A_652 = arith.constant 0 : i32
        %dma_wait3A_653 = arith.constant 0 : i32
        %dma_wait3A_654 = tpu.memref_slice %arg12[%dma_wait3A_652, %dma_wait3A_653] : memref<200x128xf32, #tpu.memory_space<vmem>> -> memref<104x128xf32, #tpu.memory_space<vmem>>
        tpu.wait_dma2 semaphore(%arg37 : memref<!tpu.dma_semaphore, #tpu.memory_space<semaphore_mem>>) src(%dma_wait3A_654 : memref<104x128xf32, #tpu.memory_space<vmem>>) dst(%dma_wait3A_651 : memref<104x128xf32, #tpu.memory_space<hbm>>)
      } else {
      }
      %ge3A_170 = arith.constant 1 : i32
      %ge3A_171 = arith.cmpi sge, %add3A_116, %ge3A_170 : i32
      %convert_element_type3A_172 = arith.extui %ge3A_171 : i1 to i32
      %cond3A_173 = arith.constant 0 : i32
      %cond3A_174 = arith.cmpi ne, %convert_element_type3A_172, %cond3A_173 : i32
      scf.if %cond3A_174 {
        %add3A_643 = arith.constant 104 : i32
        %add3A_644 = arith.addi %add3A_164, %add3A_643 : i32
        %dma_wait3A_645 = arith.constant 104 : i32
        %dma_wait3A_646 = arith.constant 0 : i32
        %dma_wait3A_647 = tpu.memref_slice %arg12[%dma_wait3A_645, %dma_wait3A_646] : memref<200x128xf32, #tpu.memory_space<vmem>> -> memref<96x128xf32, #tpu.memory_space<vmem>>
        %dma_wait3A_648 = arith.constant 0 : i32
        %dma_wait3A_649 = tpu.memref_slice %arg5[%add3A_644, %dma_wait3A_648] : memref<819200x128xf32, #tpu.memory_space<hbm>> -> memref<96x128xf32, #tpu.memory_space<hbm>>
        %dma_wait3A_650 = arith.constant 0 : i32
        %dma_wait3A_651 = tpu.memref_slice %arg5[%add3A_644, %dma_wait3A_650] : memref<819200x128xf32, #tpu.memory_space<hbm>> -> memref<96x128xf32, #tpu.memory_space<hbm>>
        %dma_wait3A_652 = arith.constant 104 : i32
        %dma_wait3A_653 = arith.constant 0 : i32
        %dma_wait3A_654 = tpu.memref_slice %arg12[%dma_wait3A_652, %dma_wait3A_653] : memref<200x128xf32, #tpu.memory_space<vmem>> -> memref<96x128xf32, #tpu.memory_space<vmem>>
        tpu.wait_dma2 semaphore(%arg38 : memref<!tpu.dma_semaphore, #tpu.memory_space<semaphore_mem>>) src(%dma_wait3A_654 : memref<96x128xf32, #tpu.memory_space<vmem>>) dst(%dma_wait3A_651 : memref<96x128xf32, #tpu.memory_space<hbm>>)
      } else {
      }
      %dma_start3A_175 = arith.constant 0 : i32
      %dma_start3A_176 = arith.constant 0 : i32
      %dma_start3A_177 = tpu.memref_slice %arg12[%dma_start3A_175, %dma_start3A_176] : memref<200x128xf32, #tpu.memory_space<vmem>> -> memref<104x128xf32, #tpu.memory_space<vmem>>
      %dma_start3A_178 = arith.constant 0 : i32
      %dma_start3A_179 = arith.constant 0 : i32
      %dma_start3A_180 = tpu.memref_slice %arg6[%dma_start3A_178, %dma_start3A_179] : memref<200x128xf32, #tpu.memory_space<vmem_shared>> -> memref<104x128xf32, #tpu.memory_space<vmem_shared>>
      %dma_start3A_181 = arith.constant 0 : i32
      %dma_start3A_182 = arith.constant 0 : i32
      %dma_start3A_183 = tpu.memref_slice %arg12[%dma_start3A_181, %dma_start3A_182] : memref<200x128xf32, #tpu.memory_space<vmem>> -> memref<104x128xf32, #tpu.memory_space<vmem>>
      %dma_start3A_184 = arith.constant 0 : i32
      %dma_start3A_185 = arith.constant 0 : i32
      %dma_start3A_186 = tpu.memref_slice %arg6[%dma_start3A_184, %dma_start3A_185] : memref<200x128xf32, #tpu.memory_space<vmem_shared>> -> memref<104x128xf32, #tpu.memory_space<vmem_shared>>
      tpu.enqueue_dma source(%dma_start3A_186 : memref<104x128xf32, #tpu.memory_space<vmem_shared>>) target(%dma_start3A_183 : memref<104x128xf32, #tpu.memory_space<vmem>>) target_semaphore(%arg17 : memref<!tpu.dma_semaphore, #tpu.memory_space<semaphore_mem>>)
      %dma_start3A_187 = arith.constant 104 : i32
      %dma_start3A_188 = arith.constant 0 : i32
      %dma_start3A_189 = tpu.memref_slice %arg12[%dma_start3A_187, %dma_start3A_188] : memref<200x128xf32, #tpu.memory_space<vmem>> -> memref<96x128xf32, #tpu.memory_space<vmem>>
      %dma_start3A_190 = arith.constant 104 : i32
      %dma_start3A_191 = arith.constant 0 : i32
      %dma_start3A_192 = tpu.memref_slice %arg6[%dma_start3A_190, %dma_start3A_191] : memref<200x128xf32, #tpu.memory_space<vmem_shared>> -> memref<96x128xf32, #tpu.memory_space<vmem_shared>>
      %dma_start3A_193 = arith.constant 104 : i32
      %dma_start3A_194 = arith.constant 0 : i32
      %dma_start3A_195 = tpu.memref_slice %arg12[%dma_start3A_193, %dma_start3A_194] : memref<200x128xf32, #tpu.memory_space<vmem>> -> memref<96x128xf32, #tpu.memory_space<vmem>>
      %dma_start3A_196 = arith.constant 104 : i32
      %dma_start3A_197 = arith.constant 0 : i32
      %dma_start3A_198 = tpu.memref_slice %arg6[%dma_start3A_196, %dma_start3A_197] : memref<200x128xf32, #tpu.memory_space<vmem_shared>> -> memref<96x128xf32, #tpu.memory_space<vmem_shared>>
      tpu.enqueue_dma source(%dma_start3A_198 : memref<96x128xf32, #tpu.memory_space<vmem_shared>>) target(%dma_start3A_195 : memref<96x128xf32, #tpu.memory_space<vmem>>) target_semaphore(%arg18 : memref<!tpu.dma_semaphore, #tpu.memory_space<semaphore_mem>>)
      %dma_start3A_199 = tpu.memref_slice %arg2[%add3A_164] : memref<819200xi32, #tpu.memory_space<hbm>> -> memref<200xi32, #tpu.memory_space<hbm>>
      %dma_start3A_200 = tpu.memref_slice %arg2[%add3A_164] : memref<819200xi32, #tpu.memory_space<hbm>> -> memref<200xi32, #tpu.memory_space<hbm>>
      tpu.enqueue_dma source(%dma_start3A_200 : memref<200xi32, #tpu.memory_space<hbm>>) target(%arg8 : memref<200xi32, #tpu.memory_space<vmem>>) target_semaphore(%arg24 : memref<!tpu.dma_semaphore, #tpu.memory_space<semaphore_mem>>)
      %mul3A_201 = arith.constant 4 : i32
      %mul3A_202 = arith.muli %mul3A_201, %add3A_116 : i32
      %add3A_203 = arith.constant 2 : i32
      %add3A_204 = arith.addi %mul3A_202, %add3A_203 : i32
      %mul3A_205 = arith.constant 200 : i32
      %mul3A_206 = arith.muli %add3A_204, %mul3A_205 : i32
      %add3A_207 = arith.addi %mul3A_2, %mul3A_206 : i32
      %ge3A_208 = arith.constant 1 : i32
      %ge3A_209 = arith.cmpi sge, %add3A_116, %ge3A_208 : i32
      %convert_element_type3A_210 = arith.extui %ge3A_209 : i1 to i32
      %cond3A_211 = arith.constant 0 : i32
      %cond3A_212 = arith.cmpi ne, %convert_element_type3A_210, %cond3A_211 : i32
      scf.if %cond3A_212 {
        %add3A_643 = arith.constant 0 : i32
        %add3A_644 = arith.addi %add3A_207, %add3A_643 : i32
        %dma_wait3A_645 = arith.constant 0 : i32
        %dma_wait3A_646 = arith.constant 0 : i32
        %dma_wait3A_647 = tpu.memref_slice %arg13[%dma_wait3A_645, %dma_wait3A_646] : memref<200x128xf32, #tpu.memory_space<vmem>> -> memref<104x128xf32, #tpu.memory_space<vmem>>
        %dma_wait3A_648 = arith.constant 0 : i32
        %dma_wait3A_649 = tpu.memref_slice %arg5[%add3A_644, %dma_wait3A_648] : memref<819200x128xf32, #tpu.memory_space<hbm>> -> memref<104x128xf32, #tpu.memory_space<hbm>>
        %dma_wait3A_650 = arith.constant 0 : i32
        %dma_wait3A_651 = tpu.memref_slice %arg5[%add3A_644, %dma_wait3A_650] : memref<819200x128xf32, #tpu.memory_space<hbm>> -> memref<104x128xf32, #tpu.memory_space<hbm>>
        %dma_wait3A_652 = arith.constant 0 : i32
        %dma_wait3A_653 = arith.constant 0 : i32
        %dma_wait3A_654 = tpu.memref_slice %arg13[%dma_wait3A_652, %dma_wait3A_653] : memref<200x128xf32, #tpu.memory_space<vmem>> -> memref<104x128xf32, #tpu.memory_space<vmem>>
        tpu.wait_dma2 semaphore(%arg39 : memref<!tpu.dma_semaphore, #tpu.memory_space<semaphore_mem>>) src(%dma_wait3A_654 : memref<104x128xf32, #tpu.memory_space<vmem>>) dst(%dma_wait3A_651 : memref<104x128xf32, #tpu.memory_space<hbm>>)
      } else {
      }
      %ge3A_213 = arith.constant 1 : i32
      %ge3A_214 = arith.cmpi sge, %add3A_116, %ge3A_213 : i32
      %convert_element_type3A_215 = arith.extui %ge3A_214 : i1 to i32
      %cond3A_216 = arith.constant 0 : i32
      %cond3A_217 = arith.cmpi ne, %convert_element_type3A_215, %cond3A_216 : i32
      scf.if %cond3A_217 {
        %add3A_643 = arith.constant 104 : i32
        %add3A_644 = arith.addi %add3A_207, %add3A_643 : i32
        %dma_wait3A_645 = arith.constant 104 : i32
        %dma_wait3A_646 = arith.constant 0 : i32
        %dma_wait3A_647 = tpu.memref_slice %arg13[%dma_wait3A_645, %dma_wait3A_646] : memref<200x128xf32, #tpu.memory_space<vmem>> -> memref<96x128xf32, #tpu.memory_space<vmem>>
        %dma_wait3A_648 = arith.constant 0 : i32
        %dma_wait3A_649 = tpu.memref_slice %arg5[%add3A_644, %dma_wait3A_648] : memref<819200x128xf32, #tpu.memory_space<hbm>> -> memref<96x128xf32, #tpu.memory_space<hbm>>
        %dma_wait3A_650 = arith.constant 0 : i32
        %dma_wait3A_651 = tpu.memref_slice %arg5[%add3A_644, %dma_wait3A_650] : memref<819200x128xf32, #tpu.memory_space<hbm>> -> memref<96x128xf32, #tpu.memory_space<hbm>>
        %dma_wait3A_652 = arith.constant 104 : i32
        %dma_wait3A_653 = arith.constant 0 : i32
        %dma_wait3A_654 = tpu.memref_slice %arg13[%dma_wait3A_652, %dma_wait3A_653] : memref<200x128xf32, #tpu.memory_space<vmem>> -> memref<96x128xf32, #tpu.memory_space<vmem>>
        tpu.wait_dma2 semaphore(%arg40 : memref<!tpu.dma_semaphore, #tpu.memory_space<semaphore_mem>>) src(%dma_wait3A_654 : memref<96x128xf32, #tpu.memory_space<vmem>>) dst(%dma_wait3A_651 : memref<96x128xf32, #tpu.memory_space<hbm>>)
      } else {
      }
      %dma_start3A_218 = arith.constant 0 : i32
      %dma_start3A_219 = arith.constant 0 : i32
      %dma_start3A_220 = tpu.memref_slice %arg13[%dma_start3A_218, %dma_start3A_219] : memref<200x128xf32, #tpu.memory_space<vmem>> -> memref<104x128xf32, #tpu.memory_space<vmem>>
      %dma_start3A_221 = arith.constant 0 : i32
      %dma_start3A_222 = arith.constant 0 : i32
      %dma_start3A_223 = tpu.memref_slice %arg6[%dma_start3A_221, %dma_start3A_222] : memref<200x128xf32, #tpu.memory_space<vmem_shared>> -> memref<104x128xf32, #tpu.memory_space<vmem_shared>>
      %dma_start3A_224 = arith.constant 0 : i32
      %dma_start3A_225 = arith.constant 0 : i32
      %dma_start3A_226 = tpu.memref_slice %arg13[%dma_start3A_224, %dma_start3A_225] : memref<200x128xf32, #tpu.memory_space<vmem>> -> memref<104x128xf32, #tpu.memory_space<vmem>>
      %dma_start3A_227 = arith.constant 0 : i32
      %dma_start3A_228 = arith.constant 0 : i32
      %dma_start3A_229 = tpu.memref_slice %arg6[%dma_start3A_227, %dma_start3A_228] : memref<200x128xf32, #tpu.memory_space<vmem_shared>> -> memref<104x128xf32, #tpu.memory_space<vmem_shared>>
      tpu.enqueue_dma source(%dma_start3A_229 : memref<104x128xf32, #tpu.memory_space<vmem_shared>>) target(%dma_start3A_226 : memref<104x128xf32, #tpu.memory_space<vmem>>) target_semaphore(%arg19 : memref<!tpu.dma_semaphore, #tpu.memory_space<semaphore_mem>>)
      %dma_start3A_230 = arith.constant 104 : i32
      %dma_start3A_231 = arith.constant 0 : i32
      %dma_start3A_232 = tpu.memref_slice %arg13[%dma_start3A_230, %dma_start3A_231] : memref<200x128xf32, #tpu.memory_space<vmem>> -> memref<96x128xf32, #tpu.memory_space<vmem>>
      %dma_start3A_233 = arith.constant 104 : i32
      %dma_start3A_234 = arith.constant 0 : i32
      %dma_start3A_235 = tpu.memref_slice %arg6[%dma_start3A_233, %dma_start3A_234] : memref<200x128xf32, #tpu.memory_space<vmem_shared>> -> memref<96x128xf32, #tpu.memory_space<vmem_shared>>
      %dma_start3A_236 = arith.constant 104 : i32
      %dma_start3A_237 = arith.constant 0 : i32
      %dma_start3A_238 = tpu.memref_slice %arg13[%dma_start3A_236, %dma_start3A_237] : memref<200x128xf32, #tpu.memory_space<vmem>> -> memref<96x128xf32, #tpu.memory_space<vmem>>
      %dma_start3A_239 = arith.constant 104 : i32
      %dma_start3A_240 = arith.constant 0 : i32
      %dma_start3A_241 = tpu.memref_slice %arg6[%dma_start3A_239, %dma_start3A_240] : memref<200x128xf32, #tpu.memory_space<vmem_shared>> -> memref<96x128xf32, #tpu.memory_space<vmem_shared>>
      tpu.enqueue_dma source(%dma_start3A_241 : memref<96x128xf32, #tpu.memory_space<vmem_shared>>) target(%dma_start3A_238 : memref<96x128xf32, #tpu.memory_space<vmem>>) target_semaphore(%arg20 : memref<!tpu.dma_semaphore, #tpu.memory_space<semaphore_mem>>)
      %dma_start3A_242 = tpu.memref_slice %arg2[%add3A_207] : memref<819200xi32, #tpu.memory_space<hbm>> -> memref<200xi32, #tpu.memory_space<hbm>>
      %dma_start3A_243 = tpu.memref_slice %arg2[%add3A_207] : memref<819200xi32, #tpu.memory_space<hbm>> -> memref<200xi32, #tpu.memory_space<hbm>>
      tpu.enqueue_dma source(%dma_start3A_243 : memref<200xi32, #tpu.memory_space<hbm>>) target(%arg9 : memref<200xi32, #tpu.memory_space<vmem>>) target_semaphore(%arg25 : memref<!tpu.dma_semaphore, #tpu.memory_space<semaphore_mem>>)
      %mul3A_244 = arith.constant 4 : i32
      %mul3A_245 = arith.muli %mul3A_244, %add3A_116 : i32
      %add3A_246 = arith.constant 3 : i32
      %add3A_247 = arith.addi %mul3A_245, %add3A_246 : i32
      %mul3A_248 = arith.constant 200 : i32
      %mul3A_249 = arith.muli %add3A_247, %mul3A_248 : i32
      %add3A_250 = arith.addi %mul3A_2, %mul3A_249 : i32
      %ge3A_251 = arith.constant 1 : i32
      %ge3A_252 = arith.cmpi sge, %add3A_116, %ge3A_251 : i32
      %convert_element_type3A_253 = arith.extui %ge3A_252 : i1 to i32
      %cond3A_254 = arith.constant 0 : i32
      %cond3A_255 = arith.cmpi ne, %convert_element_type3A_253, %cond3A_254 : i32
      scf.if %cond3A_255 {
        %add3A_643 = arith.constant 0 : i32
        %add3A_644 = arith.addi %add3A_250, %add3A_643 : i32
        %dma_wait3A_645 = arith.constant 0 : i32
        %dma_wait3A_646 = arith.constant 0 : i32
        %dma_wait3A_647 = tpu.memref_slice %arg14[%dma_wait3A_645, %dma_wait3A_646] : memref<200x128xf32, #tpu.memory_space<vmem>> -> memref<104x128xf32, #tpu.memory_space<vmem>>
        %dma_wait3A_648 = arith.constant 0 : i32
        %dma_wait3A_649 = tpu.memref_slice %arg5[%add3A_644, %dma_wait3A_648] : memref<819200x128xf32, #tpu.memory_space<hbm>> -> memref<104x128xf32, #tpu.memory_space<hbm>>
        %dma_wait3A_650 = arith.constant 0 : i32
        %dma_wait3A_651 = tpu.memref_slice %arg5[%add3A_644, %dma_wait3A_650] : memref<819200x128xf32, #tpu.memory_space<hbm>> -> memref<104x128xf32, #tpu.memory_space<hbm>>
        %dma_wait3A_652 = arith.constant 0 : i32
        %dma_wait3A_653 = arith.constant 0 : i32
        %dma_wait3A_654 = tpu.memref_slice %arg14[%dma_wait3A_652, %dma_wait3A_653] : memref<200x128xf32, #tpu.memory_space<vmem>> -> memref<104x128xf32, #tpu.memory_space<vmem>>
        tpu.wait_dma2 semaphore(%arg41 : memref<!tpu.dma_semaphore, #tpu.memory_space<semaphore_mem>>) src(%dma_wait3A_654 : memref<104x128xf32, #tpu.memory_space<vmem>>) dst(%dma_wait3A_651 : memref<104x128xf32, #tpu.memory_space<hbm>>)
      } else {
      }
      %ge3A_256 = arith.constant 1 : i32
      %ge3A_257 = arith.cmpi sge, %add3A_116, %ge3A_256 : i32
      %convert_element_type3A_258 = arith.extui %ge3A_257 : i1 to i32
      %cond3A_259 = arith.constant 0 : i32
      %cond3A_260 = arith.cmpi ne, %convert_element_type3A_258, %cond3A_259 : i32
      scf.if %cond3A_260 {
        %add3A_643 = arith.constant 104 : i32
        %add3A_644 = arith.addi %add3A_250, %add3A_643 : i32
        %dma_wait3A_645 = arith.constant 104 : i32
        %dma_wait3A_646 = arith.constant 0 : i32
        %dma_wait3A_647 = tpu.memref_slice %arg14[%dma_wait3A_645, %dma_wait3A_646] : memref<200x128xf32, #tpu.memory_space<vmem>> -> memref<96x128xf32, #tpu.memory_space<vmem>>
        %dma_wait3A_648 = arith.constant 0 : i32
        %dma_wait3A_649 = tpu.memref_slice %arg5[%add3A_644, %dma_wait3A_648] : memref<819200x128xf32, #tpu.memory_space<hbm>> -> memref<96x128xf32, #tpu.memory_space<hbm>>
        %dma_wait3A_650 = arith.constant 0 : i32
        %dma_wait3A_651 = tpu.memref_slice %arg5[%add3A_644, %dma_wait3A_650] : memref<819200x128xf32, #tpu.memory_space<hbm>> -> memref<96x128xf32, #tpu.memory_space<hbm>>
        %dma_wait3A_652 = arith.constant 104 : i32
        %dma_wait3A_653 = arith.constant 0 : i32
        %dma_wait3A_654 = tpu.memref_slice %arg14[%dma_wait3A_652, %dma_wait3A_653] : memref<200x128xf32, #tpu.memory_space<vmem>> -> memref<96x128xf32, #tpu.memory_space<vmem>>
        tpu.wait_dma2 semaphore(%arg42 : memref<!tpu.dma_semaphore, #tpu.memory_space<semaphore_mem>>) src(%dma_wait3A_654 : memref<96x128xf32, #tpu.memory_space<vmem>>) dst(%dma_wait3A_651 : memref<96x128xf32, #tpu.memory_space<hbm>>)
      } else {
      }
      %dma_start3A_261 = arith.constant 0 : i32
      %dma_start3A_262 = arith.constant 0 : i32
      %dma_start3A_263 = tpu.memref_slice %arg14[%dma_start3A_261, %dma_start3A_262] : memref<200x128xf32, #tpu.memory_space<vmem>> -> memref<104x128xf32, #tpu.memory_space<vmem>>
      %dma_start3A_264 = arith.constant 0 : i32
      %dma_start3A_265 = arith.constant 0 : i32
      %dma_start3A_266 = tpu.memref_slice %arg6[%dma_start3A_264, %dma_start3A_265] : memref<200x128xf32, #tpu.memory_space<vmem_shared>> -> memref<104x128xf32, #tpu.memory_space<vmem_shared>>
      %dma_start3A_267 = arith.constant 0 : i32
      %dma_start3A_268 = arith.constant 0 : i32
      %dma_start3A_269 = tpu.memref_slice %arg14[%dma_start3A_267, %dma_start3A_268] : memref<200x128xf32, #tpu.memory_space<vmem>> -> memref<104x128xf32, #tpu.memory_space<vmem>>
      %dma_start3A_270 = arith.constant 0 : i32
      %dma_start3A_271 = arith.constant 0 : i32
      %dma_start3A_272 = tpu.memref_slice %arg6[%dma_start3A_270, %dma_start3A_271] : memref<200x128xf32, #tpu.memory_space<vmem_shared>> -> memref<104x128xf32, #tpu.memory_space<vmem_shared>>
      tpu.enqueue_dma source(%dma_start3A_272 : memref<104x128xf32, #tpu.memory_space<vmem_shared>>) target(%dma_start3A_269 : memref<104x128xf32, #tpu.memory_space<vmem>>) target_semaphore(%arg21 : memref<!tpu.dma_semaphore, #tpu.memory_space<semaphore_mem>>)
      %dma_start3A_273 = arith.constant 104 : i32
      %dma_start3A_274 = arith.constant 0 : i32
      %dma_start3A_275 = tpu.memref_slice %arg14[%dma_start3A_273, %dma_start3A_274] : memref<200x128xf32, #tpu.memory_space<vmem>> -> memref<96x128xf32, #tpu.memory_space<vmem>>
      %dma_start3A_276 = arith.constant 104 : i32
      %dma_start3A_277 = arith.constant 0 : i32
      %dma_start3A_278 = tpu.memref_slice %arg6[%dma_start3A_276, %dma_start3A_277] : memref<200x128xf32, #tpu.memory_space<vmem_shared>> -> memref<96x128xf32, #tpu.memory_space<vmem_shared>>
      %dma_start3A_279 = arith.constant 104 : i32
      %dma_start3A_280 = arith.constant 0 : i32
      %dma_start3A_281 = tpu.memref_slice %arg14[%dma_start3A_279, %dma_start3A_280] : memref<200x128xf32, #tpu.memory_space<vmem>> -> memref<96x128xf32, #tpu.memory_space<vmem>>
      %dma_start3A_282 = arith.constant 104 : i32
      %dma_start3A_283 = arith.constant 0 : i32
      %dma_start3A_284 = tpu.memref_slice %arg6[%dma_start3A_282, %dma_start3A_283] : memref<200x128xf32, #tpu.memory_space<vmem_shared>> -> memref<96x128xf32, #tpu.memory_space<vmem_shared>>
      tpu.enqueue_dma source(%dma_start3A_284 : memref<96x128xf32, #tpu.memory_space<vmem_shared>>) target(%dma_start3A_281 : memref<96x128xf32, #tpu.memory_space<vmem>>) target_semaphore(%arg22 : memref<!tpu.dma_semaphore, #tpu.memory_space<semaphore_mem>>)
      %dma_start3A_285 = tpu.memref_slice %arg2[%add3A_250] : memref<819200xi32, #tpu.memory_space<hbm>> -> memref<200xi32, #tpu.memory_space<hbm>>
      %dma_start3A_286 = tpu.memref_slice %arg2[%add3A_250] : memref<819200xi32, #tpu.memory_space<hbm>> -> memref<200xi32, #tpu.memory_space<hbm>>
      tpu.enqueue_dma source(%dma_start3A_286 : memref<200xi32, #tpu.memory_space<hbm>>) target(%arg10 : memref<200xi32, #tpu.memory_space<vmem>>) target_semaphore(%arg26 : memref<!tpu.dma_semaphore, #tpu.memory_space<semaphore_mem>>)
      %dma_wait3A_287 = tpu.memref_slice %arg2[%add3A_123] : memref<819200xi32, #tpu.memory_space<hbm>> -> memref<200xi32, #tpu.memory_space<hbm>>
      %dma_wait3A_288 = tpu.memref_slice %arg2[%add3A_123] : memref<819200xi32, #tpu.memory_space<hbm>> -> memref<200xi32, #tpu.memory_space<hbm>>
      tpu.wait_dma2 semaphore(%arg23 : memref<!tpu.dma_semaphore, #tpu.memory_space<semaphore_mem>>) src(%dma_wait3A_288 : memref<200xi32, #tpu.memory_space<hbm>>) dst(%arg7 : memref<200xi32, #tpu.memory_space<vmem>>)
      %dma_wait3A_289 = arith.constant 0 : i32
      %dma_wait3A_290 = arith.constant 0 : i32
      %dma_wait3A_291 = tpu.memref_slice %arg11[%dma_wait3A_289, %dma_wait3A_290] : memref<200x128xf32, #tpu.memory_space<vmem>> -> memref<104x128xf32, #tpu.memory_space<vmem>>
      %dma_wait3A_292 = arith.constant 0 : i32
      %dma_wait3A_293 = arith.constant 0 : i32
      %dma_wait3A_294 = tpu.memref_slice %arg6[%dma_wait3A_292, %dma_wait3A_293] : memref<200x128xf32, #tpu.memory_space<vmem_shared>> -> memref<104x128xf32, #tpu.memory_space<vmem_shared>>
      %dma_wait3A_295 = arith.constant 0 : i32
      %dma_wait3A_296 = arith.constant 0 : i32
      %dma_wait3A_297 = tpu.memref_slice %arg11[%dma_wait3A_295, %dma_wait3A_296] : memref<200x128xf32, #tpu.memory_space<vmem>> -> memref<104x128xf32, #tpu.memory_space<vmem>>
      %dma_wait3A_298 = arith.constant 0 : i32
      %dma_wait3A_299 = arith.constant 0 : i32
      %dma_wait3A_300 = tpu.memref_slice %arg6[%dma_wait3A_298, %dma_wait3A_299] : memref<200x128xf32, #tpu.memory_space<vmem_shared>> -> memref<104x128xf32, #tpu.memory_space<vmem_shared>>
      tpu.wait_dma2 semaphore(%arg15 : memref<!tpu.dma_semaphore, #tpu.memory_space<semaphore_mem>>) src(%dma_wait3A_300 : memref<104x128xf32, #tpu.memory_space<vmem_shared>>) dst(%dma_wait3A_297 : memref<104x128xf32, #tpu.memory_space<vmem>>)
      %dma_start3A_301 = arith.constant 0 : i32
      %dma_start3A_302 = arith.constant 0 : i32
      %dma_start3A_303 = tpu.memref_slice %arg11[%dma_start3A_301, %dma_start3A_302] : memref<200x128xf32, #tpu.memory_space<vmem>> -> memref<104x128xf32, #tpu.memory_space<vmem>>
      %dma_start3A_304 = arith.constant 0 : i32
      %dma_start3A_305 = tpu.memref_slice %arg7[%dma_start3A_304] : memref<200xi32, #tpu.memory_space<vmem>> -> memref<104xi32, #tpu.memory_space<vmem>>
      %dma_start3A_306 = arith.constant 0 : i32
      %dma_start3A_307 = arith.constant 0 : i32
      %dma_start3A_308 = tpu.memref_slice %arg3[%dma_start3A_306, %dma_start3A_307] : memref<100000x128xf32, #tpu.memory_space<hbm>> -> memref<100000x128xf32, #tpu.memory_space<hbm>>
      tpu.enqueue_indirect_dma source(%dma_start3A_308 : memref<100000x128xf32, #tpu.memory_space<hbm>>) target(%dma_start3A_303 : memref<104x128xf32, #tpu.memory_space<vmem>>) offsets(%dma_start3A_305 : memref<104xi32, #tpu.memory_space<vmem>>) semaphore(%arg27 : memref<!tpu.dma_semaphore, #tpu.memory_space<semaphore_mem>>) {add = true}
      %dma_wait3A_309 = arith.constant 104 : i32
      %dma_wait3A_310 = arith.constant 0 : i32
      %dma_wait3A_311 = tpu.memref_slice %arg11[%dma_wait3A_309, %dma_wait3A_310] : memref<200x128xf32, #tpu.memory_space<vmem>> -> memref<96x128xf32, #tpu.memory_space<vmem>>
      %dma_wait3A_312 = arith.constant 104 : i32
      %dma_wait3A_313 = arith.constant 0 : i32
      %dma_wait3A_314 = tpu.memref_slice %arg6[%dma_wait3A_312, %dma_wait3A_313] : memref<200x128xf32, #tpu.memory_space<vmem_shared>> -> memref<96x128xf32, #tpu.memory_space<vmem_shared>>
      %dma_wait3A_315 = arith.constant 104 : i32
      %dma_wait3A_316 = arith.constant 0 : i32
      %dma_wait3A_317 = tpu.memref_slice %arg11[%dma_wait3A_315, %dma_wait3A_316] : memref<200x128xf32, #tpu.memory_space<vmem>> -> memref<96x128xf32, #tpu.memory_space<vmem>>
      %dma_wait3A_318 = arith.constant 104 : i32
      %dma_wait3A_319 = arith.constant 0 : i32
      %dma_wait3A_320 = tpu.memref_slice %arg6[%dma_wait3A_318, %dma_wait3A_319] : memref<200x128xf32, #tpu.memory_space<vmem_shared>> -> memref<96x128xf32, #tpu.memory_space<vmem_shared>>
      tpu.wait_dma2 semaphore(%arg16 : memref<!tpu.dma_semaphore, #tpu.memory_space<semaphore_mem>>) src(%dma_wait3A_320 : memref<96x128xf32, #tpu.memory_space<vmem_shared>>) dst(%dma_wait3A_317 : memref<96x128xf32, #tpu.memory_space<vmem>>)
      %dma_start3A_321 = arith.constant 104 : i32
      %dma_start3A_322 = arith.constant 0 : i32
      %dma_start3A_323 = tpu.memref_slice %arg11[%dma_start3A_321, %dma_start3A_322] : memref<200x128xf32, #tpu.memory_space<vmem>> -> memref<96x128xf32, #tpu.memory_space<vmem>>
      %dma_start3A_324 = arith.constant 104 : i32
      %dma_start3A_325 = tpu.memref_slice %arg7[%dma_start3A_324] : memref<200xi32, #tpu.memory_space<vmem>> -> memref<96xi32, #tpu.memory_space<vmem>>
      %dma_start3A_326 = arith.constant 0 : i32
      %dma_start3A_327 = arith.constant 0 : i32
      %dma_start3A_328 = tpu.memref_slice %arg3[%dma_start3A_326, %dma_start3A_327] : memref<100000x128xf32, #tpu.memory_space<hbm>> -> memref<100000x128xf32, #tpu.memory_space<hbm>>
      tpu.enqueue_indirect_dma source(%dma_start3A_328 : memref<100000x128xf32, #tpu.memory_space<hbm>>) target(%dma_start3A_323 : memref<96x128xf32, #tpu.memory_space<vmem>>) offsets(%dma_start3A_325 : memref<96xi32, #tpu.memory_space<vmem>>) semaphore(%arg28 : memref<!tpu.dma_semaphore, #tpu.memory_space<semaphore_mem>>) {add = true}
      %dma_wait3A_329 = tpu.memref_slice %arg2[%add3A_164] : memref<819200xi32, #tpu.memory_space<hbm>> -> memref<200xi32, #tpu.memory_space<hbm>>
      %dma_wait3A_330 = tpu.memref_slice %arg2[%add3A_164] : memref<819200xi32, #tpu.memory_space<hbm>> -> memref<200xi32, #tpu.memory_space<hbm>>
      tpu.wait_dma2 semaphore(%arg24 : memref<!tpu.dma_semaphore, #tpu.memory_space<semaphore_mem>>) src(%dma_wait3A_330 : memref<200xi32, #tpu.memory_space<hbm>>) dst(%arg8 : memref<200xi32, #tpu.memory_space<vmem>>)
      %dma_wait3A_331 = arith.constant 0 : i32
      %dma_wait3A_332 = arith.constant 0 : i32
      %dma_wait3A_333 = tpu.memref_slice %arg12[%dma_wait3A_331, %dma_wait3A_332] : memref<200x128xf32, #tpu.memory_space<vmem>> -> memref<104x128xf32, #tpu.memory_space<vmem>>
      %dma_wait3A_334 = arith.constant 0 : i32
      %dma_wait3A_335 = arith.constant 0 : i32
      %dma_wait3A_336 = tpu.memref_slice %arg6[%dma_wait3A_334, %dma_wait3A_335] : memref<200x128xf32, #tpu.memory_space<vmem_shared>> -> memref<104x128xf32, #tpu.memory_space<vmem_shared>>
      %dma_wait3A_337 = arith.constant 0 : i32
      %dma_wait3A_338 = arith.constant 0 : i32
      %dma_wait3A_339 = tpu.memref_slice %arg12[%dma_wait3A_337, %dma_wait3A_338] : memref<200x128xf32, #tpu.memory_space<vmem>> -> memref<104x128xf32, #tpu.memory_space<vmem>>
      %dma_wait3A_340 = arith.constant 0 : i32
      %dma_wait3A_341 = arith.constant 0 : i32
      %dma_wait3A_342 = tpu.memref_slice %arg6[%dma_wait3A_340, %dma_wait3A_341] : memref<200x128xf32, #tpu.memory_space<vmem_shared>> -> memref<104x128xf32, #tpu.memory_space<vmem_shared>>
      tpu.wait_dma2 semaphore(%arg17 : memref<!tpu.dma_semaphore, #tpu.memory_space<semaphore_mem>>) src(%dma_wait3A_342 : memref<104x128xf32, #tpu.memory_space<vmem_shared>>) dst(%dma_wait3A_339 : memref<104x128xf32, #tpu.memory_space<vmem>>)
      %dma_start3A_343 = arith.constant 0 : i32
      %dma_start3A_344 = arith.constant 0 : i32
      %dma_start3A_345 = tpu.memref_slice %arg12[%dma_start3A_343, %dma_start3A_344] : memref<200x128xf32, #tpu.memory_space<vmem>> -> memref<104x128xf32, #tpu.memory_space<vmem>>
      %dma_start3A_346 = arith.constant 0 : i32
      %dma_start3A_347 = tpu.memref_slice %arg8[%dma_start3A_346] : memref<200xi32, #tpu.memory_space<vmem>> -> memref<104xi32, #tpu.memory_space<vmem>>
      %dma_start3A_348 = arith.constant 0 : i32
      %dma_start3A_349 = arith.constant 0 : i32
      %dma_start3A_350 = tpu.memref_slice %arg3[%dma_start3A_348, %dma_start3A_349] : memref<100000x128xf32, #tpu.memory_space<hbm>> -> memref<100000x128xf32, #tpu.memory_space<hbm>>
      tpu.enqueue_indirect_dma source(%dma_start3A_350 : memref<100000x128xf32, #tpu.memory_space<hbm>>) target(%dma_start3A_345 : memref<104x128xf32, #tpu.memory_space<vmem>>) offsets(%dma_start3A_347 : memref<104xi32, #tpu.memory_space<vmem>>) semaphore(%arg29 : memref<!tpu.dma_semaphore, #tpu.memory_space<semaphore_mem>>) {add = true}
      %dma_wait3A_351 = arith.constant 104 : i32
      %dma_wait3A_352 = arith.constant 0 : i32
      %dma_wait3A_353 = tpu.memref_slice %arg12[%dma_wait3A_351, %dma_wait3A_352] : memref<200x128xf32, #tpu.memory_space<vmem>> -> memref<96x128xf32, #tpu.memory_space<vmem>>
      %dma_wait3A_354 = arith.constant 104 : i32
      %dma_wait3A_355 = arith.constant 0 : i32
      %dma_wait3A_356 = tpu.memref_slice %arg6[%dma_wait3A_354, %dma_wait3A_355] : memref<200x128xf32, #tpu.memory_space<vmem_shared>> -> memref<96x128xf32, #tpu.memory_space<vmem_shared>>
      %dma_wait3A_357 = arith.constant 104 : i32
      %dma_wait3A_358 = arith.constant 0 : i32
      %dma_wait3A_359 = tpu.memref_slice %arg12[%dma_wait3A_357, %dma_wait3A_358] : memref<200x128xf32, #tpu.memory_space<vmem>> -> memref<96x128xf32, #tpu.memory_space<vmem>>
      %dma_wait3A_360 = arith.constant 104 : i32
      %dma_wait3A_361 = arith.constant 0 : i32
      %dma_wait3A_362 = tpu.memref_slice %arg6[%dma_wait3A_360, %dma_wait3A_361] : memref<200x128xf32, #tpu.memory_space<vmem_shared>> -> memref<96x128xf32, #tpu.memory_space<vmem_shared>>
      tpu.wait_dma2 semaphore(%arg18 : memref<!tpu.dma_semaphore, #tpu.memory_space<semaphore_mem>>) src(%dma_wait3A_362 : memref<96x128xf32, #tpu.memory_space<vmem_shared>>) dst(%dma_wait3A_359 : memref<96x128xf32, #tpu.memory_space<vmem>>)
      %dma_start3A_363 = arith.constant 104 : i32
      %dma_start3A_364 = arith.constant 0 : i32
      %dma_start3A_365 = tpu.memref_slice %arg12[%dma_start3A_363, %dma_start3A_364] : memref<200x128xf32, #tpu.memory_space<vmem>> -> memref<96x128xf32, #tpu.memory_space<vmem>>
      %dma_start3A_366 = arith.constant 104 : i32
      %dma_start3A_367 = tpu.memref_slice %arg8[%dma_start3A_366] : memref<200xi32, #tpu.memory_space<vmem>> -> memref<96xi32, #tpu.memory_space<vmem>>
      %dma_start3A_368 = arith.constant 0 : i32
      %dma_start3A_369 = arith.constant 0 : i32
      %dma_start3A_370 = tpu.memref_slice %arg3[%dma_start3A_368, %dma_start3A_369] : memref<100000x128xf32, #tpu.memory_space<hbm>> -> memref<100000x128xf32, #tpu.memory_space<hbm>>
      tpu.enqueue_indirect_dma source(%dma_start3A_370 : memref<100000x128xf32, #tpu.memory_space<hbm>>) target(%dma_start3A_365 : memref<96x128xf32, #tpu.memory_space<vmem>>) offsets(%dma_start3A_367 : memref<96xi32, #tpu.memory_space<vmem>>) semaphore(%arg30 : memref<!tpu.dma_semaphore, #tpu.memory_space<semaphore_mem>>) {add = true}
      %dma_wait3A_371 = tpu.memref_slice %arg2[%add3A_207] : memref<819200xi32, #tpu.memory_space<hbm>> -> memref<200xi32, #tpu.memory_space<hbm>>
      %dma_wait3A_372 = tpu.memref_slice %arg2[%add3A_207] : memref<819200xi32, #tpu.memory_space<hbm>> -> memref<200xi32, #tpu.memory_space<hbm>>
      tpu.wait_dma2 semaphore(%arg25 : memref<!tpu.dma_semaphore, #tpu.memory_space<semaphore_mem>>) src(%dma_wait3A_372 : memref<200xi32, #tpu.memory_space<hbm>>) dst(%arg9 : memref<200xi32, #tpu.memory_space<vmem>>)
      %dma_wait3A_373 = arith.constant 0 : i32
      %dma_wait3A_374 = arith.constant 0 : i32
      %dma_wait3A_375 = tpu.memref_slice %arg13[%dma_wait3A_373, %dma_wait3A_374] : memref<200x128xf32, #tpu.memory_space<vmem>> -> memref<104x128xf32, #tpu.memory_space<vmem>>
      %dma_wait3A_376 = arith.constant 0 : i32
      %dma_wait3A_377 = arith.constant 0 : i32
      %dma_wait3A_378 = tpu.memref_slice %arg6[%dma_wait3A_376, %dma_wait3A_377] : memref<200x128xf32, #tpu.memory_space<vmem_shared>> -> memref<104x128xf32, #tpu.memory_space<vmem_shared>>
      %dma_wait3A_379 = arith.constant 0 : i32
      %dma_wait3A_380 = arith.constant 0 : i32
      %dma_wait3A_381 = tpu.memref_slice %arg13[%dma_wait3A_379, %dma_wait3A_380] : memref<200x128xf32, #tpu.memory_space<vmem>> -> memref<104x128xf32, #tpu.memory_space<vmem>>
      %dma_wait3A_382 = arith.constant 0 : i32
      %dma_wait3A_383 = arith.constant 0 : i32
      %dma_wait3A_384 = tpu.memref_slice %arg6[%dma_wait3A_382, %dma_wait3A_383] : memref<200x128xf32, #tpu.memory_space<vmem_shared>> -> memref<104x128xf32, #tpu.memory_space<vmem_shared>>
      tpu.wait_dma2 semaphore(%arg19 : memref<!tpu.dma_semaphore, #tpu.memory_space<semaphore_mem>>) src(%dma_wait3A_384 : memref<104x128xf32, #tpu.memory_space<vmem_shared>>) dst(%dma_wait3A_381 : memref<104x128xf32, #tpu.memory_space<vmem>>)
      %dma_start3A_385 = arith.constant 0 : i32
      %dma_start3A_386 = arith.constant 0 : i32
      %dma_start3A_387 = tpu.memref_slice %arg13[%dma_start3A_385, %dma_start3A_386] : memref<200x128xf32, #tpu.memory_space<vmem>> -> memref<104x128xf32, #tpu.memory_space<vmem>>
      %dma_start3A_388 = arith.constant 0 : i32
      %dma_start3A_389 = tpu.memref_slice %arg9[%dma_start3A_388] : memref<200xi32, #tpu.memory_space<vmem>> -> memref<104xi32, #tpu.memory_space<vmem>>
      %dma_start3A_390 = arith.constant 0 : i32
      %dma_start3A_391 = arith.constant 0 : i32
      %dma_start3A_392 = tpu.memref_slice %arg3[%dma_start3A_390, %dma_start3A_391] : memref<100000x128xf32, #tpu.memory_space<hbm>> -> memref<100000x128xf32, #tpu.memory_space<hbm>>
      tpu.enqueue_indirect_dma source(%dma_start3A_392 : memref<100000x128xf32, #tpu.memory_space<hbm>>) target(%dma_start3A_387 : memref<104x128xf32, #tpu.memory_space<vmem>>) offsets(%dma_start3A_389 : memref<104xi32, #tpu.memory_space<vmem>>) semaphore(%arg31 : memref<!tpu.dma_semaphore, #tpu.memory_space<semaphore_mem>>) {add = true}
      %dma_wait3A_393 = arith.constant 104 : i32
      %dma_wait3A_394 = arith.constant 0 : i32
      %dma_wait3A_395 = tpu.memref_slice %arg13[%dma_wait3A_393, %dma_wait3A_394] : memref<200x128xf32, #tpu.memory_space<vmem>> -> memref<96x128xf32, #tpu.memory_space<vmem>>
      %dma_wait3A_396 = arith.constant 104 : i32
      %dma_wait3A_397 = arith.constant 0 : i32
      %dma_wait3A_398 = tpu.memref_slice %arg6[%dma_wait3A_396, %dma_wait3A_397] : memref<200x128xf32, #tpu.memory_space<vmem_shared>> -> memref<96x128xf32, #tpu.memory_space<vmem_shared>>
      %dma_wait3A_399 = arith.constant 104 : i32
      %dma_wait3A_400 = arith.constant 0 : i32
      %dma_wait3A_401 = tpu.memref_slice %arg13[%dma_wait3A_399, %dma_wait3A_400] : memref<200x128xf32, #tpu.memory_space<vmem>> -> memref<96x128xf32, #tpu.memory_space<vmem>>
      %dma_wait3A_402 = arith.constant 104 : i32
      %dma_wait3A_403 = arith.constant 0 : i32
      %dma_wait3A_404 = tpu.memref_slice %arg6[%dma_wait3A_402, %dma_wait3A_403] : memref<200x128xf32, #tpu.memory_space<vmem_shared>> -> memref<96x128xf32, #tpu.memory_space<vmem_shared>>
      tpu.wait_dma2 semaphore(%arg20 : memref<!tpu.dma_semaphore, #tpu.memory_space<semaphore_mem>>) src(%dma_wait3A_404 : memref<96x128xf32, #tpu.memory_space<vmem_shared>>) dst(%dma_wait3A_401 : memref<96x128xf32, #tpu.memory_space<vmem>>)
      %dma_start3A_405 = arith.constant 104 : i32
      %dma_start3A_406 = arith.constant 0 : i32
      %dma_start3A_407 = tpu.memref_slice %arg13[%dma_start3A_405, %dma_start3A_406] : memref<200x128xf32, #tpu.memory_space<vmem>> -> memref<96x128xf32, #tpu.memory_space<vmem>>
      %dma_start3A_408 = arith.constant 104 : i32
      %dma_start3A_409 = tpu.memref_slice %arg9[%dma_start3A_408] : memref<200xi32, #tpu.memory_space<vmem>> -> memref<96xi32, #tpu.memory_space<vmem>>
      %dma_start3A_410 = arith.constant 0 : i32
      %dma_start3A_411 = arith.constant 0 : i32
      %dma_start3A_412 = tpu.memref_slice %arg3[%dma_start3A_410, %dma_start3A_411] : memref<100000x128xf32, #tpu.memory_space<hbm>> -> memref<100000x128xf32, #tpu.memory_space<hbm>>
      tpu.enqueue_indirect_dma source(%dma_start3A_412 : memref<100000x128xf32, #tpu.memory_space<hbm>>) target(%dma_start3A_407 : memref<96x128xf32, #tpu.memory_space<vmem>>) offsets(%dma_start3A_409 : memref<96xi32, #tpu.memory_space<vmem>>) semaphore(%arg32 : memref<!tpu.dma_semaphore, #tpu.memory_space<semaphore_mem>>) {add = true}
      %dma_wait3A_413 = tpu.memref_slice %arg2[%add3A_250] : memref<819200xi32, #tpu.memory_space<hbm>> -> memref<200xi32, #tpu.memory_space<hbm>>
      %dma_wait3A_414 = tpu.memref_slice %arg2[%add3A_250] : memref<819200xi32, #tpu.memory_space<hbm>> -> memref<200xi32, #tpu.memory_space<hbm>>
      tpu.wait_dma2 semaphore(%arg26 : memref<!tpu.dma_semaphore, #tpu.memory_space<semaphore_mem>>) src(%dma_wait3A_414 : memref<200xi32, #tpu.memory_space<hbm>>) dst(%arg10 : memref<200xi32, #tpu.memory_space<vmem>>)
      %dma_wait3A_415 = arith.constant 0 : i32
      %dma_wait3A_416 = arith.constant 0 : i32
      %dma_wait3A_417 = tpu.memref_slice %arg14[%dma_wait3A_415, %dma_wait3A_416] : memref<200x128xf32, #tpu.memory_space<vmem>> -> memref<104x128xf32, #tpu.memory_space<vmem>>
      %dma_wait3A_418 = arith.constant 0 : i32
      %dma_wait3A_419 = arith.constant 0 : i32
      %dma_wait3A_420 = tpu.memref_slice %arg6[%dma_wait3A_418, %dma_wait3A_419] : memref<200x128xf32, #tpu.memory_space<vmem_shared>> -> memref<104x128xf32, #tpu.memory_space<vmem_shared>>
      %dma_wait3A_421 = arith.constant 0 : i32
      %dma_wait3A_422 = arith.constant 0 : i32
      %dma_wait3A_423 = tpu.memref_slice %arg14[%dma_wait3A_421, %dma_wait3A_422] : memref<200x128xf32, #tpu.memory_space<vmem>> -> memref<104x128xf32, #tpu.memory_space<vmem>>
      %dma_wait3A_424 = arith.constant 0 : i32
      %dma_wait3A_425 = arith.constant 0 : i32
      %dma_wait3A_426 = tpu.memref_slice %arg6[%dma_wait3A_424, %dma_wait3A_425] : memref<200x128xf32, #tpu.memory_space<vmem_shared>> -> memref<104x128xf32, #tpu.memory_space<vmem_shared>>
      tpu.wait_dma2 semaphore(%arg21 : memref<!tpu.dma_semaphore, #tpu.memory_space<semaphore_mem>>) src(%dma_wait3A_426 : memref<104x128xf32, #tpu.memory_space<vmem_shared>>) dst(%dma_wait3A_423 : memref<104x128xf32, #tpu.memory_space<vmem>>)
      %dma_start3A_427 = arith.constant 0 : i32
      %dma_start3A_428 = arith.constant 0 : i32
      %dma_start3A_429 = tpu.memref_slice %arg14[%dma_start3A_427, %dma_start3A_428] : memref<200x128xf32, #tpu.memory_space<vmem>> -> memref<104x128xf32, #tpu.memory_space<vmem>>
      %dma_start3A_430 = arith.constant 0 : i32
      %dma_start3A_431 = tpu.memref_slice %arg10[%dma_start3A_430] : memref<200xi32, #tpu.memory_space<vmem>> -> memref<104xi32, #tpu.memory_space<vmem>>
      %dma_start3A_432 = arith.constant 0 : i32
      %dma_start3A_433 = arith.constant 0 : i32
      %dma_start3A_434 = tpu.memref_slice %arg3[%dma_start3A_432, %dma_start3A_433] : memref<100000x128xf32, #tpu.memory_space<hbm>> -> memref<100000x128xf32, #tpu.memory_space<hbm>>
      tpu.enqueue_indirect_dma source(%dma_start3A_434 : memref<100000x128xf32, #tpu.memory_space<hbm>>) target(%dma_start3A_429 : memref<104x128xf32, #tpu.memory_space<vmem>>) offsets(%dma_start3A_431 : memref<104xi32, #tpu.memory_space<vmem>>) semaphore(%arg33 : memref<!tpu.dma_semaphore, #tpu.memory_space<semaphore_mem>>) {add = true}
      %dma_wait3A_435 = arith.constant 104 : i32
      %dma_wait3A_436 = arith.constant 0 : i32
      %dma_wait3A_437 = tpu.memref_slice %arg14[%dma_wait3A_435, %dma_wait3A_436] : memref<200x128xf32, #tpu.memory_space<vmem>> -> memref<96x128xf32, #tpu.memory_space<vmem>>
      %dma_wait3A_438 = arith.constant 104 : i32
      %dma_wait3A_439 = arith.constant 0 : i32
      %dma_wait3A_440 = tpu.memref_slice %arg6[%dma_wait3A_438, %dma_wait3A_439] : memref<200x128xf32, #tpu.memory_space<vmem_shared>> -> memref<96x128xf32, #tpu.memory_space<vmem_shared>>
      %dma_wait3A_441 = arith.constant 104 : i32
      %dma_wait3A_442 = arith.constant 0 : i32
      %dma_wait3A_443 = tpu.memref_slice %arg14[%dma_wait3A_441, %dma_wait3A_442] : memref<200x128xf32, #tpu.memory_space<vmem>> -> memref<96x128xf32, #tpu.memory_space<vmem>>
      %dma_wait3A_444 = arith.constant 104 : i32
      %dma_wait3A_445 = arith.constant 0 : i32
      %dma_wait3A_446 = tpu.memref_slice %arg6[%dma_wait3A_444, %dma_wait3A_445] : memref<200x128xf32, #tpu.memory_space<vmem_shared>> -> memref<96x128xf32, #tpu.memory_space<vmem_shared>>
      tpu.wait_dma2 semaphore(%arg22 : memref<!tpu.dma_semaphore, #tpu.memory_space<semaphore_mem>>) src(%dma_wait3A_446 : memref<96x128xf32, #tpu.memory_space<vmem_shared>>) dst(%dma_wait3A_443 : memref<96x128xf32, #tpu.memory_space<vmem>>)
      %dma_start3A_447 = arith.constant 104 : i32
      %dma_start3A_448 = arith.constant 0 : i32
      %dma_start3A_449 = tpu.memref_slice %arg14[%dma_start3A_447, %dma_start3A_448] : memref<200x128xf32, #tpu.memory_space<vmem>> -> memref<96x128xf32, #tpu.memory_space<vmem>>
      %dma_start3A_450 = arith.constant 104 : i32
      %dma_start3A_451 = tpu.memref_slice %arg10[%dma_start3A_450] : memref<200xi32, #tpu.memory_space<vmem>> -> memref<96xi32, #tpu.memory_space<vmem>>
      %dma_start3A_452 = arith.constant 0 : i32
      %dma_start3A_453 = arith.constant 0 : i32
      %dma_start3A_454 = tpu.memref_slice %arg3[%dma_start3A_452, %dma_start3A_453] : memref<100000x128xf32, #tpu.memory_space<hbm>> -> memref<100000x128xf32, #tpu.memory_space<hbm>>
      tpu.enqueue_indirect_dma source(%dma_start3A_454 : memref<100000x128xf32, #tpu.memory_space<hbm>>) target(%dma_start3A_449 : memref<96x128xf32, #tpu.memory_space<vmem>>) offsets(%dma_start3A_451 : memref<96xi32, #tpu.memory_space<vmem>>) semaphore(%arg34 : memref<!tpu.dma_semaphore, #tpu.memory_space<semaphore_mem>>) {add = true}
      %mul3A_455 = arith.constant 4 : i32
      %mul3A_456 = arith.muli %mul3A_455, %add3A_116 : i32
      %add3A_457 = arith.constant 0 : i32
      %add3A_458 = arith.addi %mul3A_456, %add3A_457 : i32
      %mul3A_459 = arith.constant 200 : i32
      %mul3A_460 = arith.muli %add3A_458, %mul3A_459 : i32
      %add3A_461 = arith.addi %mul3A_2, %mul3A_460 : i32
      %dma_wait3A_462 = arith.constant 0 : i32
      %dma_wait3A_463 = arith.constant 0 : i32
      %dma_wait3A_464 = tpu.memref_slice %arg11[%dma_wait3A_462, %dma_wait3A_463] : memref<200x128xf32, #tpu.memory_space<vmem>> -> memref<104x128xf32, #tpu.memory_space<vmem>>
      %dma_wait3A_465 = arith.constant 0 : i32
      %dma_wait3A_466 = tpu.memref_slice %arg7[%dma_wait3A_465] : memref<200xi32, #tpu.memory_space<vmem>> -> memref<104xi32, #tpu.memory_space<vmem>>
      %dma_wait3A_467 = arith.constant 0 : i32
      %dma_wait3A_468 = arith.constant 0 : i32
      %dma_wait3A_469 = tpu.memref_slice %arg3[%dma_wait3A_467, %dma_wait3A_468] : memref<100000x128xf32, #tpu.memory_space<hbm>> -> memref<100000x128xf32, #tpu.memory_space<hbm>>
      tpu.wait_indirect_dma semaphore(%arg27 : memref<!tpu.dma_semaphore, #tpu.memory_space<semaphore_mem>>) src(%dma_wait3A_469 : memref<100000x128xf32, #tpu.memory_space<hbm>>) dst(%dma_wait3A_464 : memref<104x128xf32, #tpu.memory_space<vmem>>)
      %add3A_470 = arith.constant 0 : i32
      %add3A_471 = arith.addi %add3A_461, %add3A_470 : i32
      %dma_start3A_472 = arith.constant 0 : i32
      %dma_start3A_473 = arith.constant 0 : i32
      %dma_start3A_474 = tpu.memref_slice %arg11[%dma_start3A_472, %dma_start3A_473] : memref<200x128xf32, #tpu.memory_space<vmem>> -> memref<104x128xf32, #tpu.memory_space<vmem>>
      %dma_start3A_475 = arith.constant 0 : i32
      %dma_start3A_476 = tpu.memref_slice %arg5[%add3A_471, %dma_start3A_475] : memref<819200x128xf32, #tpu.memory_space<hbm>> -> memref<104x128xf32, #tpu.memory_space<hbm>>
      %dma_start3A_477 = arith.constant 0 : i32
      %dma_start3A_478 = tpu.memref_slice %arg5[%add3A_471, %dma_start3A_477] : memref<819200x128xf32, #tpu.memory_space<hbm>> -> memref<104x128xf32, #tpu.memory_space<hbm>>
      %dma_start3A_479 = arith.constant 0 : i32
      %dma_start3A_480 = arith.constant 0 : i32
      %dma_start3A_481 = tpu.memref_slice %arg11[%dma_start3A_479, %dma_start3A_480] : memref<200x128xf32, #tpu.memory_space<vmem>> -> memref<104x128xf32, #tpu.memory_space<vmem>>
      tpu.enqueue_dma source(%dma_start3A_481 : memref<104x128xf32, #tpu.memory_space<vmem>>) target(%dma_start3A_478 : memref<104x128xf32, #tpu.memory_space<hbm>>) target_semaphore(%arg35 : memref<!tpu.dma_semaphore, #tpu.memory_space<semaphore_mem>>)
      %dma_wait3A_482 = arith.constant 104 : i32
      %dma_wait3A_483 = arith.constant 0 : i32
      %dma_wait3A_484 = tpu.memref_slice %arg11[%dma_wait3A_482, %dma_wait3A_483] : memref<200x128xf32, #tpu.memory_space<vmem>> -> memref<96x128xf32, #tpu.memory_space<vmem>>
      %dma_wait3A_485 = arith.constant 104 : i32
      %dma_wait3A_486 = tpu.memref_slice %arg7[%dma_wait3A_485] : memref<200xi32, #tpu.memory_space<vmem>> -> memref<96xi32, #tpu.memory_space<vmem>>
      %dma_wait3A_487 = arith.constant 0 : i32
      %dma_wait3A_488 = arith.constant 0 : i32
      %dma_wait3A_489 = tpu.memref_slice %arg3[%dma_wait3A_487, %dma_wait3A_488] : memref<100000x128xf32, #tpu.memory_space<hbm>> -> memref<100000x128xf32, #tpu.memory_space<hbm>>
      tpu.wait_indirect_dma semaphore(%arg28 : memref<!tpu.dma_semaphore, #tpu.memory_space<semaphore_mem>>) src(%dma_wait3A_489 : memref<100000x128xf32, #tpu.memory_space<hbm>>) dst(%dma_wait3A_484 : memref<96x128xf32, #tpu.memory_space<vmem>>)
      %add3A_490 = arith.constant 104 : i32
      %add3A_491 = arith.addi %add3A_461, %add3A_490 : i32
      %dma_start3A_492 = arith.constant 104 : i32
      %dma_start3A_493 = arith.constant 0 : i32
      %dma_start3A_494 = tpu.memref_slice %arg11[%dma_start3A_492, %dma_start3A_493] : memref<200x128xf32, #tpu.memory_space<vmem>> -> memref<96x128xf32, #tpu.memory_space<vmem>>
      %dma_start3A_495 = arith.constant 0 : i32
      %dma_start3A_496 = tpu.memref_slice %arg5[%add3A_491, %dma_start3A_495] : memref<819200x128xf32, #tpu.memory_space<hbm>> -> memref<96x128xf32, #tpu.memory_space<hbm>>
      %dma_start3A_497 = arith.constant 0 : i32
      %dma_start3A_498 = tpu.memref_slice %arg5[%add3A_491, %dma_start3A_497] : memref<819200x128xf32, #tpu.memory_space<hbm>> -> memref<96x128xf32, #tpu.memory_space<hbm>>
      %dma_start3A_499 = arith.constant 104 : i32
      %dma_start3A_500 = arith.constant 0 : i32
      %dma_start3A_501 = tpu.memref_slice %arg11[%dma_start3A_499, %dma_start3A_500] : memref<200x128xf32, #tpu.memory_space<vmem>> -> memref<96x128xf32, #tpu.memory_space<vmem>>
      tpu.enqueue_dma source(%dma_start3A_501 : memref<96x128xf32, #tpu.memory_space<vmem>>) target(%dma_start3A_498 : memref<96x128xf32, #tpu.memory_space<hbm>>) target_semaphore(%arg36 : memref<!tpu.dma_semaphore, #tpu.memory_space<semaphore_mem>>)
      %mul3A_502 = arith.constant 4 : i32
      %mul3A_503 = arith.muli %mul3A_502, %add3A_116 : i32
      %add3A_504 = arith.constant 1 : i32
      %add3A_505 = arith.addi %mul3A_503, %add3A_504 : i32
      %mul3A_506 = arith.constant 200 : i32
      %mul3A_507 = arith.muli %add3A_505, %mul3A_506 : i32
      %add3A_508 = arith.addi %mul3A_2, %mul3A_507 : i32
      %dma_wait3A_509 = arith.constant 0 : i32
      %dma_wait3A_510 = arith.constant 0 : i32
      %dma_wait3A_511 = tpu.memref_slice %arg12[%dma_wait3A_509, %dma_wait3A_510] : memref<200x128xf32, #tpu.memory_space<vmem>> -> memref<104x128xf32, #tpu.memory_space<vmem>>
      %dma_wait3A_512 = arith.constant 0 : i32
      %dma_wait3A_513 = tpu.memref_slice %arg8[%dma_wait3A_512] : memref<200xi32, #tpu.memory_space<vmem>> -> memref<104xi32, #tpu.memory_space<vmem>>
      %dma_wait3A_514 = arith.constant 0 : i32
      %dma_wait3A_515 = arith.constant 0 : i32
      %dma_wait3A_516 = tpu.memref_slice %arg3[%dma_wait3A_514, %dma_wait3A_515] : memref<100000x128xf32, #tpu.memory_space<hbm>> -> memref<100000x128xf32, #tpu.memory_space<hbm>>
      tpu.wait_indirect_dma semaphore(%arg29 : memref<!tpu.dma_semaphore, #tpu.memory_space<semaphore_mem>>) src(%dma_wait3A_516 : memref<100000x128xf32, #tpu.memory_space<hbm>>) dst(%dma_wait3A_511 : memref<104x128xf32, #tpu.memory_space<vmem>>)
      %add3A_517 = arith.constant 0 : i32
      %add3A_518 = arith.addi %add3A_508, %add3A_517 : i32
      %dma_start3A_519 = arith.constant 0 : i32
      %dma_start3A_520 = arith.constant 0 : i32
      %dma_start3A_521 = tpu.memref_slice %arg12[%dma_start3A_519, %dma_start3A_520] : memref<200x128xf32, #tpu.memory_space<vmem>> -> memref<104x128xf32, #tpu.memory_space<vmem>>
      %dma_start3A_522 = arith.constant 0 : i32
      %dma_start3A_523 = tpu.memref_slice %arg5[%add3A_518, %dma_start3A_522] : memref<819200x128xf32, #tpu.memory_space<hbm>> -> memref<104x128xf32, #tpu.memory_space<hbm>>
      %dma_start3A_524 = arith.constant 0 : i32
      %dma_start3A_525 = tpu.memref_slice %arg5[%add3A_518, %dma_start3A_524] : memref<819200x128xf32, #tpu.memory_space<hbm>> -> memref<104x128xf32, #tpu.memory_space<hbm>>
      %dma_start3A_526 = arith.constant 0 : i32
      %dma_start3A_527 = arith.constant 0 : i32
      %dma_start3A_528 = tpu.memref_slice %arg12[%dma_start3A_526, %dma_start3A_527] : memref<200x128xf32, #tpu.memory_space<vmem>> -> memref<104x128xf32, #tpu.memory_space<vmem>>
      tpu.enqueue_dma source(%dma_start3A_528 : memref<104x128xf32, #tpu.memory_space<vmem>>) target(%dma_start3A_525 : memref<104x128xf32, #tpu.memory_space<hbm>>) target_semaphore(%arg37 : memref<!tpu.dma_semaphore, #tpu.memory_space<semaphore_mem>>)
      %dma_wait3A_529 = arith.constant 104 : i32
      %dma_wait3A_530 = arith.constant 0 : i32
      %dma_wait3A_531 = tpu.memref_slice %arg12[%dma_wait3A_529, %dma_wait3A_530] : memref<200x128xf32, #tpu.memory_space<vmem>> -> memref<96x128xf32, #tpu.memory_space<vmem>>
      %dma_wait3A_532 = arith.constant 104 : i32
      %dma_wait3A_533 = tpu.memref_slice %arg8[%dma_wait3A_532] : memref<200xi32, #tpu.memory_space<vmem>> -> memref<96xi32, #tpu.memory_space<vmem>>
      %dma_wait3A_534 = arith.constant 0 : i32
      %dma_wait3A_535 = arith.constant 0 : i32
      %dma_wait3A_536 = tpu.memref_slice %arg3[%dma_wait3A_534, %dma_wait3A_535] : memref<100000x128xf32, #tpu.memory_space<hbm>> -> memref<100000x128xf32, #tpu.memory_space<hbm>>
      tpu.wait_indirect_dma semaphore(%arg30 : memref<!tpu.dma_semaphore, #tpu.memory_space<semaphore_mem>>) src(%dma_wait3A_536 : memref<100000x128xf32, #tpu.memory_space<hbm>>) dst(%dma_wait3A_531 : memref<96x128xf32, #tpu.memory_space<vmem>>)
      %add3A_537 = arith.constant 104 : i32
      %add3A_538 = arith.addi %add3A_508, %add3A_537 : i32
      %dma_start3A_539 = arith.constant 104 : i32
      %dma_start3A_540 = arith.constant 0 : i32
      %dma_start3A_541 = tpu.memref_slice %arg12[%dma_start3A_539, %dma_start3A_540] : memref<200x128xf32, #tpu.memory_space<vmem>> -> memref<96x128xf32, #tpu.memory_space<vmem>>
      %dma_start3A_542 = arith.constant 0 : i32
      %dma_start3A_543 = tpu.memref_slice %arg5[%add3A_538, %dma_start3A_542] : memref<819200x128xf32, #tpu.memory_space<hbm>> -> memref<96x128xf32, #tpu.memory_space<hbm>>
      %dma_start3A_544 = arith.constant 0 : i32
      %dma_start3A_545 = tpu.memref_slice %arg5[%add3A_538, %dma_start3A_544] : memref<819200x128xf32, #tpu.memory_space<hbm>> -> memref<96x128xf32, #tpu.memory_space<hbm>>
      %dma_start3A_546 = arith.constant 104 : i32
      %dma_start3A_547 = arith.constant 0 : i32
      %dma_start3A_548 = tpu.memref_slice %arg12[%dma_start3A_546, %dma_start3A_547] : memref<200x128xf32, #tpu.memory_space<vmem>> -> memref<96x128xf32, #tpu.memory_space<vmem>>
      tpu.enqueue_dma source(%dma_start3A_548 : memref<96x128xf32, #tpu.memory_space<vmem>>) target(%dma_start3A_545 : memref<96x128xf32, #tpu.memory_space<hbm>>) target_semaphore(%arg38 : memref<!tpu.dma_semaphore, #tpu.memory_space<semaphore_mem>>)
      %mul3A_549 = arith.constant 4 : i32
      %mul3A_550 = arith.muli %mul3A_549, %add3A_116 : i32
      %add3A_551 = arith.constant 2 : i32
      %add3A_552 = arith.addi %mul3A_550, %add3A_551 : i32
      %mul3A_553 = arith.constant 200 : i32
      %mul3A_554 = arith.muli %add3A_552, %mul3A_553 : i32
      %add3A_555 = arith.addi %mul3A_2, %mul3A_554 : i32
      %dma_wait3A_556 = arith.constant 0 : i32
      %dma_wait3A_557 = arith.constant 0 : i32
      %dma_wait3A_558 = tpu.memref_slice %arg13[%dma_wait3A_556, %dma_wait3A_557] : memref<200x128xf32, #tpu.memory_space<vmem>> -> memref<104x128xf32, #tpu.memory_space<vmem>>
      %dma_wait3A_559 = arith.constant 0 : i32
      %dma_wait3A_560 = tpu.memref_slice %arg9[%dma_wait3A_559] : memref<200xi32, #tpu.memory_space<vmem>> -> memref<104xi32, #tpu.memory_space<vmem>>
      %dma_wait3A_561 = arith.constant 0 : i32
      %dma_wait3A_562 = arith.constant 0 : i32
      %dma_wait3A_563 = tpu.memref_slice %arg3[%dma_wait3A_561, %dma_wait3A_562] : memref<100000x128xf32, #tpu.memory_space<hbm>> -> memref<100000x128xf32, #tpu.memory_space<hbm>>
      tpu.wait_indirect_dma semaphore(%arg31 : memref<!tpu.dma_semaphore, #tpu.memory_space<semaphore_mem>>) src(%dma_wait3A_563 : memref<100000x128xf32, #tpu.memory_space<hbm>>) dst(%dma_wait3A_558 : memref<104x128xf32, #tpu.memory_space<vmem>>)
      %add3A_564 = arith.constant 0 : i32
      %add3A_565 = arith.addi %add3A_555, %add3A_564 : i32
      %dma_start3A_566 = arith.constant 0 : i32
      %dma_start3A_567 = arith.constant 0 : i32
      %dma_start3A_568 = tpu.memref_slice %arg13[%dma_start3A_566, %dma_start3A_567] : memref<200x128xf32, #tpu.memory_space<vmem>> -> memref<104x128xf32, #tpu.memory_space<vmem>>
      %dma_start3A_569 = arith.constant 0 : i32
      %dma_start3A_570 = tpu.memref_slice %arg5[%add3A_565, %dma_start3A_569] : memref<819200x128xf32, #tpu.memory_space<hbm>> -> memref<104x128xf32, #tpu.memory_space<hbm>>
      %dma_start3A_571 = arith.constant 0 : i32
      %dma_start3A_572 = tpu.memref_slice %arg5[%add3A_565, %dma_start3A_571] : memref<819200x128xf32, #tpu.memory_space<hbm>> -> memref<104x128xf32, #tpu.memory_space<hbm>>
      %dma_start3A_573 = arith.constant 0 : i32
      %dma_start3A_574 = arith.constant 0 : i32
      %dma_start3A_575 = tpu.memref_slice %arg13[%dma_start3A_573, %dma_start3A_574] : memref<200x128xf32, #tpu.memory_space<vmem>> -> memref<104x128xf32, #tpu.memory_space<vmem>>
      tpu.enqueue_dma source(%dma_start3A_575 : memref<104x128xf32, #tpu.memory_space<vmem>>) target(%dma_start3A_572 : memref<104x128xf32, #tpu.memory_space<hbm>>) target_semaphore(%arg39 : memref<!tpu.dma_semaphore, #tpu.memory_space<semaphore_mem>>)
      %dma_wait3A_576 = arith.constant 104 : i32
      %dma_wait3A_577 = arith.constant 0 : i32
      %dma_wait3A_578 = tpu.memref_slice %arg13[%dma_wait3A_576, %dma_wait3A_577] : memref<200x128xf32, #tpu.memory_space<vmem>> -> memref<96x128xf32, #tpu.memory_space<vmem>>
      %dma_wait3A_579 = arith.constant 104 : i32
      %dma_wait3A_580 = tpu.memref_slice %arg9[%dma_wait3A_579] : memref<200xi32, #tpu.memory_space<vmem>> -> memref<96xi32, #tpu.memory_space<vmem>>
      %dma_wait3A_581 = arith.constant 0 : i32
      %dma_wait3A_582 = arith.constant 0 : i32
      %dma_wait3A_583 = tpu.memref_slice %arg3[%dma_wait3A_581, %dma_wait3A_582] : memref<100000x128xf32, #tpu.memory_space<hbm>> -> memref<100000x128xf32, #tpu.memory_space<hbm>>
      tpu.wait_indirect_dma semaphore(%arg32 : memref<!tpu.dma_semaphore, #tpu.memory_space<semaphore_mem>>) src(%dma_wait3A_583 : memref<100000x128xf32, #tpu.memory_space<hbm>>) dst(%dma_wait3A_578 : memref<96x128xf32, #tpu.memory_space<vmem>>)
      %add3A_584 = arith.constant 104 : i32
      %add3A_585 = arith.addi %add3A_555, %add3A_584 : i32
      %dma_start3A_586 = arith.constant 104 : i32
      %dma_start3A_587 = arith.constant 0 : i32
      %dma_start3A_588 = tpu.memref_slice %arg13[%dma_start3A_586, %dma_start3A_587] : memref<200x128xf32, #tpu.memory_space<vmem>> -> memref<96x128xf32, #tpu.memory_space<vmem>>
      %dma_start3A_589 = arith.constant 0 : i32
      %dma_start3A_590 = tpu.memref_slice %arg5[%add3A_585, %dma_start3A_589] : memref<819200x128xf32, #tpu.memory_space<hbm>> -> memref<96x128xf32, #tpu.memory_space<hbm>>
      %dma_start3A_591 = arith.constant 0 : i32
      %dma_start3A_592 = tpu.memref_slice %arg5[%add3A_585, %dma_start3A_591] : memref<819200x128xf32, #tpu.memory_space<hbm>> -> memref<96x128xf32, #tpu.memory_space<hbm>>
      %dma_start3A_593 = arith.constant 104 : i32
      %dma_start3A_594 = arith.constant 0 : i32
      %dma_start3A_595 = tpu.memref_slice %arg13[%dma_start3A_593, %dma_start3A_594] : memref<200x128xf32, #tpu.memory_space<vmem>> -> memref<96x128xf32, #tpu.memory_space<vmem>>
      tpu.enqueue_dma source(%dma_start3A_595 : memref<96x128xf32, #tpu.memory_space<vmem>>) target(%dma_start3A_592 : memref<96x128xf32, #tpu.memory_space<hbm>>) target_semaphore(%arg40 : memref<!tpu.dma_semaphore, #tpu.memory_space<semaphore_mem>>)
      %mul3A_596 = arith.constant 4 : i32
      %mul3A_597 = arith.muli %mul3A_596, %add3A_116 : i32
      %add3A_598 = arith.constant 3 : i32
      %add3A_599 = arith.addi %mul3A_597, %add3A_598 : i32
      %mul3A_600 = arith.constant 200 : i32
      %mul3A_601 = arith.muli %add3A_599, %mul3A_600 : i32
      %add3A_602 = arith.addi %mul3A_2, %mul3A_601 : i32
      %dma_wait3A_603 = arith.constant 0 : i32
      %dma_wait3A_604 = arith.constant 0 : i32
      %dma_wait3A_605 = tpu.memref_slice %arg14[%dma_wait3A_603, %dma_wait3A_604] : memref<200x128xf32, #tpu.memory_space<vmem>> -> memref<104x128xf32, #tpu.memory_space<vmem>>
      %dma_wait3A_606 = arith.constant 0 : i32
      %dma_wait3A_607 = tpu.memref_slice %arg10[%dma_wait3A_606] : memref<200xi32, #tpu.memory_space<vmem>> -> memref<104xi32, #tpu.memory_space<vmem>>
      %dma_wait3A_608 = arith.constant 0 : i32
      %dma_wait3A_609 = arith.constant 0 : i32
      %dma_wait3A_610 = tpu.memref_slice %arg3[%dma_wait3A_608, %dma_wait3A_609] : memref<100000x128xf32, #tpu.memory_space<hbm>> -> memref<100000x128xf32, #tpu.memory_space<hbm>>
      tpu.wait_indirect_dma semaphore(%arg33 : memref<!tpu.dma_semaphore, #tpu.memory_space<semaphore_mem>>) src(%dma_wait3A_610 : memref<100000x128xf32, #tpu.memory_space<hbm>>) dst(%dma_wait3A_605 : memref<104x128xf32, #tpu.memory_space<vmem>>)
      %add3A_611 = arith.constant 0 : i32
      %add3A_612 = arith.addi %add3A_602, %add3A_611 : i32
      %dma_start3A_613 = arith.constant 0 : i32
      %dma_start3A_614 = arith.constant 0 : i32
      %dma_start3A_615 = tpu.memref_slice %arg14[%dma_start3A_613, %dma_start3A_614] : memref<200x128xf32, #tpu.memory_space<vmem>> -> memref<104x128xf32, #tpu.memory_space<vmem>>
      %dma_start3A_616 = arith.constant 0 : i32
      %dma_start3A_617 = tpu.memref_slice %arg5[%add3A_612, %dma_start3A_616] : memref<819200x128xf32, #tpu.memory_space<hbm>> -> memref<104x128xf32, #tpu.memory_space<hbm>>
      %dma_start3A_618 = arith.constant 0 : i32
      %dma_start3A_619 = tpu.memref_slice %arg5[%add3A_612, %dma_start3A_618] : memref<819200x128xf32, #tpu.memory_space<hbm>> -> memref<104x128xf32, #tpu.memory_space<hbm>>
      %dma_start3A_620 = arith.constant 0 : i32
      %dma_start3A_621 = arith.constant 0 : i32
      %dma_start3A_622 = tpu.memref_slice %arg14[%dma_start3A_620, %dma_start3A_621] : memref<200x128xf32, #tpu.memory_space<vmem>> -> memref<104x128xf32, #tpu.memory_space<vmem>>
      tpu.enqueue_dma source(%dma_start3A_622 : memref<104x128xf32, #tpu.memory_space<vmem>>) target(%dma_start3A_619 : memref<104x128xf32, #tpu.memory_space<hbm>>) target_semaphore(%arg41 : memref<!tpu.dma_semaphore, #tpu.memory_space<semaphore_mem>>)
      %dma_wait3A_623 = arith.constant 104 : i32
      %dma_wait3A_624 = arith.constant 0 : i32
      %dma_wait3A_625 = tpu.memref_slice %arg14[%dma_wait3A_623, %dma_wait3A_624] : memref<200x128xf32, #tpu.memory_space<vmem>> -> memref<96x128xf32, #tpu.memory_space<vmem>>
      %dma_wait3A_626 = arith.constant 104 : i32
      %dma_wait3A_627 = tpu.memref_slice %arg10[%dma_wait3A_626] : memref<200xi32, #tpu.memory_space<vmem>> -> memref<96xi32, #tpu.memory_space<vmem>>
      %dma_wait3A_628 = arith.constant 0 : i32
      %dma_wait3A_629 = arith.constant 0 : i32
      %dma_wait3A_630 = tpu.memref_slice %arg3[%dma_wait3A_628, %dma_wait3A_629] : memref<100000x128xf32, #tpu.memory_space<hbm>> -> memref<100000x128xf32, #tpu.memory_space<hbm>>
      tpu.wait_indirect_dma semaphore(%arg34 : memref<!tpu.dma_semaphore, #tpu.memory_space<semaphore_mem>>) src(%dma_wait3A_630 : memref<100000x128xf32, #tpu.memory_space<hbm>>) dst(%dma_wait3A_625 : memref<96x128xf32, #tpu.memory_space<vmem>>)
      %add3A_631 = arith.constant 104 : i32
      %add3A_632 = arith.addi %add3A_602, %add3A_631 : i32
      %dma_start3A_633 = arith.constant 104 : i32
      %dma_start3A_634 = arith.constant 0 : i32
      %dma_start3A_635 = tpu.memref_slice %arg14[%dma_start3A_633, %dma_start3A_634] : memref<200x128xf32, #tpu.memory_space<vmem>> -> memref<96x128xf32, #tpu.memory_space<vmem>>
      %dma_start3A_636 = arith.constant 0 : i32
      %dma_start3A_637 = tpu.memref_slice %arg5[%add3A_632, %dma_start3A_636] : memref<819200x128xf32, #tpu.memory_space<hbm>> -> memref<96x128xf32, #tpu.memory_space<hbm>>
      %dma_start3A_638 = arith.constant 0 : i32
      %dma_start3A_639 = tpu.memref_slice %arg5[%add3A_632, %dma_start3A_638] : memref<819200x128xf32, #tpu.memory_space<hbm>> -> memref<96x128xf32, #tpu.memory_space<hbm>>
      %dma_start3A_640 = arith.constant 104 : i32
      %dma_start3A_641 = arith.constant 0 : i32
      %dma_start3A_642 = tpu.memref_slice %arg14[%dma_start3A_640, %dma_start3A_641] : memref<200x128xf32, #tpu.memory_space<vmem>> -> memref<96x128xf32, #tpu.memory_space<vmem>>
      tpu.enqueue_dma source(%dma_start3A_642 : memref<96x128xf32, #tpu.memory_space<vmem>>) target(%dma_start3A_639 : memref<96x128xf32, #tpu.memory_space<hbm>>) target_semaphore(%arg42 : memref<!tpu.dma_semaphore, #tpu.memory_space<semaphore_mem>>)
    }
    %scan3A_8 = arith.constant 32 : i32
    %add3A_9 = arith.constant 24800 : i32
    %add3A_10 = arith.addi %mul3A_2, %add3A_9 : i32
    %add3A_11 = arith.constant 0 : i32
    %add3A_12 = arith.addi %add3A_10, %add3A_11 : i32
    %dma_wait3A = arith.constant 0 : i32
    %dma_wait3A_13 = arith.constant 0 : i32
    %dma_wait3A_14 = tpu.memref_slice %arg11[%dma_wait3A, %dma_wait3A_13] : memref<200x128xf32, #tpu.memory_space<vmem>> -> memref<104x128xf32, #tpu.memory_space<vmem>>
    %dma_wait3A_15 = arith.constant 0 : i32
    %dma_wait3A_16 = tpu.memref_slice %arg5[%add3A_12, %dma_wait3A_15] : memref<819200x128xf32, #tpu.memory_space<hbm>> -> memref<104x128xf32, #tpu.memory_space<hbm>>
    %dma_wait3A_17 = arith.constant 0 : i32
    %dma_wait3A_18 = tpu.memref_slice %arg5[%add3A_12, %dma_wait3A_17] : memref<819200x128xf32, #tpu.memory_space<hbm>> -> memref<104x128xf32, #tpu.memory_space<hbm>>
    %dma_wait3A_19 = arith.constant 0 : i32
    %dma_wait3A_20 = arith.constant 0 : i32
    %dma_wait3A_21 = tpu.memref_slice %arg11[%dma_wait3A_19, %dma_wait3A_20] : memref<200x128xf32, #tpu.memory_space<vmem>> -> memref<104x128xf32, #tpu.memory_space<vmem>>
    tpu.wait_dma2 semaphore(%arg35 : memref<!tpu.dma_semaphore, #tpu.memory_space<semaphore_mem>>) src(%dma_wait3A_21 : memref<104x128xf32, #tpu.memory_space<vmem>>) dst(%dma_wait3A_18 : memref<104x128xf32, #tpu.memory_space<hbm>>)
    %add3A_22 = arith.constant 104 : i32
    %add3A_23 = arith.addi %add3A_10, %add3A_22 : i32
    %dma_wait3A_24 = arith.constant 104 : i32
    %dma_wait3A_25 = arith.constant 0 : i32
    %dma_wait3A_26 = tpu.memref_slice %arg11[%dma_wait3A_24, %dma_wait3A_25] : memref<200x128xf32, #tpu.memory_space<vmem>> -> memref<96x128xf32, #tpu.memory_space<vmem>>
    %dma_wait3A_27 = arith.constant 0 : i32
    %dma_wait3A_28 = tpu.memref_slice %arg5[%add3A_23, %dma_wait3A_27] : memref<819200x128xf32, #tpu.memory_space<hbm>> -> memref<96x128xf32, #tpu.memory_space<hbm>>
    %dma_wait3A_29 = arith.constant 0 : i32
    %dma_wait3A_30 = tpu.memref_slice %arg5[%add3A_23, %dma_wait3A_29] : memref<819200x128xf32, #tpu.memory_space<hbm>> -> memref<96x128xf32, #tpu.memory_space<hbm>>
    %dma_wait3A_31 = arith.constant 104 : i32
    %dma_wait3A_32 = arith.constant 0 : i32
    %dma_wait3A_33 = tpu.memref_slice %arg11[%dma_wait3A_31, %dma_wait3A_32] : memref<200x128xf32, #tpu.memory_space<vmem>> -> memref<96x128xf32, #tpu.memory_space<vmem>>
    tpu.wait_dma2 semaphore(%arg36 : memref<!tpu.dma_semaphore, #tpu.memory_space<semaphore_mem>>) src(%dma_wait3A_33 : memref<96x128xf32, #tpu.memory_space<vmem>>) dst(%dma_wait3A_30 : memref<96x128xf32, #tpu.memory_space<hbm>>)
    %add3A_34 = arith.constant 25000 : i32
    %add3A_35 = arith.addi %mul3A_2, %add3A_34 : i32
    %add3A_36 = arith.constant 0 : i32
    %add3A_37 = arith.addi %add3A_35, %add3A_36 : i32
    %dma_wait3A_38 = arith.constant 0 : i32
    %dma_wait3A_39 = arith.constant 0 : i32
    %dma_wait3A_40 = tpu.memref_slice %arg12[%dma_wait3A_38, %dma_wait3A_39] : memref<200x128xf32, #tpu.memory_space<vmem>> -> memref<104x128xf32, #tpu.memory_space<vmem>>
    %dma_wait3A_41 = arith.constant 0 : i32
    %dma_wait3A_42 = tpu.memref_slice %arg5[%add3A_37, %dma_wait3A_41] : memref<819200x128xf32, #tpu.memory_space<hbm>> -> memref<104x128xf32, #tpu.memory_space<hbm>>
    %dma_wait3A_43 = arith.constant 0 : i32
    %dma_wait3A_44 = tpu.memref_slice %arg5[%add3A_37, %dma_wait3A_43] : memref<819200x128xf32, #tpu.memory_space<hbm>> -> memref<104x128xf32, #tpu.memory_space<hbm>>
    %dma_wait3A_45 = arith.constant 0 : i32
    %dma_wait3A_46 = arith.constant 0 : i32
    %dma_wait3A_47 = tpu.memref_slice %arg12[%dma_wait3A_45, %dma_wait3A_46] : memref<200x128xf32, #tpu.memory_space<vmem>> -> memref<104x128xf32, #tpu.memory_space<vmem>>
    tpu.wait_dma2 semaphore(%arg37 : memref<!tpu.dma_semaphore, #tpu.memory_space<semaphore_mem>>) src(%dma_wait3A_47 : memref<104x128xf32, #tpu.memory_space<vmem>>) dst(%dma_wait3A_44 : memref<104x128xf32, #tpu.memory_space<hbm>>)
    %add3A_48 = arith.constant 104 : i32
    %add3A_49 = arith.addi %add3A_35, %add3A_48 : i32
    %dma_wait3A_50 = arith.constant 104 : i32
    %dma_wait3A_51 = arith.constant 0 : i32
    %dma_wait3A_52 = tpu.memref_slice %arg12[%dma_wait3A_50, %dma_wait3A_51] : memref<200x128xf32, #tpu.memory_space<vmem>> -> memref<96x128xf32, #tpu.memory_space<vmem>>
    %dma_wait3A_53 = arith.constant 0 : i32
    %dma_wait3A_54 = tpu.memref_slice %arg5[%add3A_49, %dma_wait3A_53] : memref<819200x128xf32, #tpu.memory_space<hbm>> -> memref<96x128xf32, #tpu.memory_space<hbm>>
    %dma_wait3A_55 = arith.constant 0 : i32
    %dma_wait3A_56 = tpu.memref_slice %arg5[%add3A_49, %dma_wait3A_55] : memref<819200x128xf32, #tpu.memory_space<hbm>> -> memref<96x128xf32, #tpu.memory_space<hbm>>
    %dma_wait3A_57 = arith.constant 104 : i32
    %dma_wait3A_58 = arith.constant 0 : i32
    %dma_wait3A_59 = tpu.memref_slice %arg12[%dma_wait3A_57, %dma_wait3A_58] : memref<200x128xf32, #tpu.memory_space<vmem>> -> memref<96x128xf32, #tpu.memory_space<vmem>>
    tpu.wait_dma2 semaphore(%arg38 : memref<!tpu.dma_semaphore, #tpu.memory_space<semaphore_mem>>) src(%dma_wait3A_59 : memref<96x128xf32, #tpu.memory_space<vmem>>) dst(%dma_wait3A_56 : memref<96x128xf32, #tpu.memory_space<hbm>>)
    %add3A_60 = arith.constant 25200 : i32
    %add3A_61 = arith.addi %mul3A_2, %add3A_60 : i32
    %add3A_62 = arith.constant 0 : i32
    %add3A_63 = arith.addi %add3A_61, %add3A_62 : i32
    %dma_wait3A_64 = arith.constant 0 : i32
    %dma_wait3A_65 = arith.constant 0 : i32
    %dma_wait3A_66 = tpu.memref_slice %arg13[%dma_wait3A_64, %dma_wait3A_65] : memref<200x128xf32, #tpu.memory_space<vmem>> -> memref<104x128xf32, #tpu.memory_space<vmem>>
    %dma_wait3A_67 = arith.constant 0 : i32
    %dma_wait3A_68 = tpu.memref_slice %arg5[%add3A_63, %dma_wait3A_67] : memref<819200x128xf32, #tpu.memory_space<hbm>> -> memref<104x128xf32, #tpu.memory_space<hbm>>
    %dma_wait3A_69 = arith.constant 0 : i32
    %dma_wait3A_70 = tpu.memref_slice %arg5[%add3A_63, %dma_wait3A_69] : memref<819200x128xf32, #tpu.memory_space<hbm>> -> memref<104x128xf32, #tpu.memory_space<hbm>>
    %dma_wait3A_71 = arith.constant 0 : i32
    %dma_wait3A_72 = arith.constant 0 : i32
    %dma_wait3A_73 = tpu.memref_slice %arg13[%dma_wait3A_71, %dma_wait3A_72] : memref<200x128xf32, #tpu.memory_space<vmem>> -> memref<104x128xf32, #tpu.memory_space<vmem>>
    tpu.wait_dma2 semaphore(%arg39 : memref<!tpu.dma_semaphore, #tpu.memory_space<semaphore_mem>>) src(%dma_wait3A_73 : memref<104x128xf32, #tpu.memory_space<vmem>>) dst(%dma_wait3A_70 : memref<104x128xf32, #tpu.memory_space<hbm>>)
    %add3A_74 = arith.constant 104 : i32
    %add3A_75 = arith.addi %add3A_61, %add3A_74 : i32
    %dma_wait3A_76 = arith.constant 104 : i32
    %dma_wait3A_77 = arith.constant 0 : i32
    %dma_wait3A_78 = tpu.memref_slice %arg13[%dma_wait3A_76, %dma_wait3A_77] : memref<200x128xf32, #tpu.memory_space<vmem>> -> memref<96x128xf32, #tpu.memory_space<vmem>>
    %dma_wait3A_79 = arith.constant 0 : i32
    %dma_wait3A_80 = tpu.memref_slice %arg5[%add3A_75, %dma_wait3A_79] : memref<819200x128xf32, #tpu.memory_space<hbm>> -> memref<96x128xf32, #tpu.memory_space<hbm>>
    %dma_wait3A_81 = arith.constant 0 : i32
    %dma_wait3A_82 = tpu.memref_slice %arg5[%add3A_75, %dma_wait3A_81] : memref<819200x128xf32, #tpu.memory_space<hbm>> -> memref<96x128xf32, #tpu.memory_space<hbm>>
    %dma_wait3A_83 = arith.constant 104 : i32
    %dma_wait3A_84 = arith.constant 0 : i32
    %dma_wait3A_85 = tpu.memref_slice %arg13[%dma_wait3A_83, %dma_wait3A_84] : memref<200x128xf32, #tpu.memory_space<vmem>> -> memref<96x128xf32, #tpu.memory_space<vmem>>
    tpu.wait_dma2 semaphore(%arg40 : memref<!tpu.dma_semaphore, #tpu.memory_space<semaphore_mem>>) src(%dma_wait3A_85 : memref<96x128xf32, #tpu.memory_space<vmem>>) dst(%dma_wait3A_82 : memref<96x128xf32, #tpu.memory_space<hbm>>)
    %add3A_86 = arith.constant 25400 : i32
    %add3A_87 = arith.addi %mul3A_2, %add3A_86 : i32
    %add3A_88 = arith.constant 0 : i32
    %add3A_89 = arith.addi %add3A_87, %add3A_88 : i32
    %dma_wait3A_90 = arith.constant 0 : i32
    %dma_wait3A_91 = arith.constant 0 : i32
    %dma_wait3A_92 = tpu.memref_slice %arg14[%dma_wait3A_90, %dma_wait3A_91] : memref<200x128xf32, #tpu.memory_space<vmem>> -> memref<104x128xf32, #tpu.memory_space<vmem>>
    %dma_wait3A_93 = arith.constant 0 : i32
    %dma_wait3A_94 = tpu.memref_slice %arg5[%add3A_89, %dma_wait3A_93] : memref<819200x128xf32, #tpu.memory_space<hbm>> -> memref<104x128xf32, #tpu.memory_space<hbm>>
    %dma_wait3A_95 = arith.constant 0 : i32
    %dma_wait3A_96 = tpu.memref_slice %arg5[%add3A_89, %dma_wait3A_95] : memref<819200x128xf32, #tpu.memory_space<hbm>> -> memref<104x128xf32, #tpu.memory_space<hbm>>
    %dma_wait3A_97 = arith.constant 0 : i32
    %dma_wait3A_98 = arith.constant 0 : i32
    %dma_wait3A_99 = tpu.memref_slice %arg14[%dma_wait3A_97, %dma_wait3A_98] : memref<200x128xf32, #tpu.memory_space<vmem>> -> memref<104x128xf32, #tpu.memory_space<vmem>>
    tpu.wait_dma2 semaphore(%arg41 : memref<!tpu.dma_semaphore, #tpu.memory_space<semaphore_mem>>) src(%dma_wait3A_99 : memref<104x128xf32, #tpu.memory_space<vmem>>) dst(%dma_wait3A_96 : memref<104x128xf32, #tpu.memory_space<hbm>>)
    %add3A_100 = arith.constant 104 : i32
    %add3A_101 = arith.addi %add3A_87, %add3A_100 : i32
    %dma_wait3A_102 = arith.constant 104 : i32
    %dma_wait3A_103 = arith.constant 0 : i32
    %dma_wait3A_104 = tpu.memref_slice %arg14[%dma_wait3A_102, %dma_wait3A_103] : memref<200x128xf32, #tpu.memory_space<vmem>> -> memref<96x128xf32, #tpu.memory_space<vmem>>
    %dma_wait3A_105 = arith.constant 0 : i32
    %dma_wait3A_106 = tpu.memref_slice %arg5[%add3A_101, %dma_wait3A_105] : memref<819200x128xf32, #tpu.memory_space<hbm>> -> memref<96x128xf32, #tpu.memory_space<hbm>>
    %dma_wait3A_107 = arith.constant 0 : i32
    %dma_wait3A_108 = tpu.memref_slice %arg5[%add3A_101, %dma_wait3A_107] : memref<819200x128xf32, #tpu.memory_space<hbm>> -> memref<96x128xf32, #tpu.memory_space<hbm>>
    %dma_wait3A_109 = arith.constant 104 : i32
    %dma_wait3A_110 = arith.constant 0 : i32
    %dma_wait3A_111 = tpu.memref_slice %arg14[%dma_wait3A_109, %dma_wait3A_110] : memref<200x128xf32, #tpu.memory_space<vmem>> -> memref<96x128xf32, #tpu.memory_space<vmem>>
    tpu.wait_dma2 semaphore(%arg42 : memref<!tpu.dma_semaphore, #tpu.memory_space<semaphore_mem>>) src(%dma_wait3A_111 : memref<96x128xf32, #tpu.memory_space<vmem>>) dst(%dma_wait3A_108 : memref<96x128xf32, #tpu.memory_space<hbm>>)
    return
  }
}

</mosaic_0001>

<sc_bundles>
// kernel: kernel.3.cloned.1.call-start
scs
__scs_entry_jumppad:
0x0: {  	(pc) =	sbr.rel $0x88, $3  }
0x1: {  	(tag) =	ssettag $0x0;
	lr =	simm.s32 $0x1  }
0x2: {  	[smem:$0x3F9F] =	sst lr;
	_ =	strace $0xD0000000  }
0x3: {  	_ = 	snop  }
0x4: {  	_ = 	snop  }
0x5: {  	_ = 	snop  }
0x6: {  	_ = 	snop  }
0x7: {  	_ = 	snop  }
__scs_overlays_trampoline_lowered:
0x8: {  	[smem:$0x3FAE] =	sst s0  }
0x9: {  	[smem:$0x3FAF] =	sst s1  }
0xa: {  	[smem:$0x3FB0] =	sst s2  }
0xb: {  	[smem:$0x3FB1] =	sst s3  }
0xc: {  	[smem:$0x3FB2] =	sst s4  }
0xd: {  	[smem:$0x3FB3] =	sst s5  }
0xe: {  	[smem:$0x3FB4] =	sst s6  }
0xf: {  	[smem:$0x3FB5] =	sst s7  }
0x10: {  	[smem:$0x3FB6] =	sst s8  }
0x11: {  	[smem:$0x3FB7] =	sst s9;
	s0 =	simm.s32 @!p0 $0x0  }
0x12: {  	s1 =	sld [smem:$0x3F9D];
	s0 =	simm.s32 @p0 $0x1  }
0x13: {  	[smem:$0x3FB8] =	sst s0;
	s0 =	simm.s32 @!p1 $0x0  }
0x14: {  	s2 =	sld [smem:$0x3F9C];
	s0 =	simm.s32 @p1 $0x1  }
0x15: {  	[smem:$0x3FB9] =	sst s0;
	s0 =	simm.s32 @!p2 $0x0  }
0x16: {  	s3 =	sld [smem:$0x3FDB];
	s0 =	simm.s32 @p2 $0x1  }
0x17: {  	s4 =	simm.s32 $0x1BF5;
	[smem:$0x3FBB] =	sst s0  }
0x18: {  	s0 =	sld [smem:$0x3F9E];
	_ =	swait.ge [sflag:s4], $0x0  }
0x19: {  	s7 =	sld [smem:$0x3F9F]  }
0x1a: {  	s8 =	sadd.s32 $0xFFFFE003, lr  }
0x1b: {  	s9 =	sadd.s32 $0xFFFFFEF7, lr;
	s5 =	simm.s32 $0xFFFFFFFF;
	p2 =	slt.u32 s8, $0xFFFFF086  }
0x1c: {  	p1 =	slt.u32 s9, $0xF7A;
	s5 =	simm.s32 @!p2 $0x0  }
0x1d: {  	s5 =	simm.s32 @p1 $0x1;
	p0 =	seq.s32 s7, s2  }
0x1e: {  	s7 =	smul.u32 @!p0 $0xF7A, s2;
	p2 =	seq.s32 @!p0 s5, $0x0  }
0x1f: {  	s9 =	smul.u32 $0xF7A, s1;
	s8 =	simm.s32 @!p0 $0x1BF5;
	p2 =	por !p2, p0  }
0x20: {  	[sflag:s8] =	ssyncset.s32 @!p0 $0xFFFFF086;
	s6 =	sadd.s32 @!p0 s3, s7;
	s7 =	simm.s32 @!p0 $0x108  }
0x21: {  	s3 =	sadd.s32 s3, s9;
	s6 =	sadd.s32 @!p0 $0x88, s6;
	s7 =	simm.s32 @p2 $0x1082  }
0x22: {  	[simem:s7], [sflag:s8] =	dma.local @!p0 [hbm:s6], $0xF7A  }
0x23: {  	s9 =	sor.u32 $0xD0000000, s2;
	s6 =	simm.s32 $0x108;
	_ =	swait.ge @!p0 [sflag:s8], $0x0  }
0x24: {  	s3 =	sadd.s32 $0x88, s3;
	s6 =	simm.s32 @!p1 $0x1082;
	[sflag:s4] =	ssyncset.s32 $0xFFFFF086  }
0x25: {  	[simem:s6], [sflag:s4] =	dma.local [hbm:s3], $0xF7A  }
0x26: {  	[smem:$0x3F9F] =	sst s1;
	(tag) =	ssettag s2;
	_ =	strace s9  }
0x27: {  	s1 =	sld [smem:$0x3FAF]  }
0x28: {  	s2 =	sld [smem:$0x3FB0]  }
0x29: {  	s4 =	sld [smem:$0x3FB2]  }
0x2a: {  	p0 =	seq.s32 s5, $0x0;
	s5 =	sld [smem:$0x3FB3]  }
0x2b: {  	s6 =	sld [smem:$0x3FB4]  }
0x2c: {  	s7 =	sld [smem:$0x3FB5]  }
0x2d: {  	s3 =	simm.s32 $0x108;
	s8 =	sld [smem:$0x3FB6]  }
0x2e: {  	s3 =	simm.s32 @!p0 $0x1082;
	s9 =	sld [smem:$0x3FB7]  }
0x2f: {  	lr =	sadd.s32 s0, s3;
	s0 =	sld [smem:$0x3FAE]  }
0x30: {  	s3 =	sld [smem:$0x3FB1]  }
0x31: {  	[smem:$0x3FBA] =	sst s10  }
0x32: {  	s10 =	sld [smem:$0x3FB8];
	_ =	sdelay $0x3  }
0x33: {  	p0 =	seq.s32 s10, $0x1;
	s10 =	sld [smem:$0x3FBA];
	_ =	sdelay $0x3  }
0x34: {  	[smem:$0x3FBA] =	sst s10  }
0x35: {  	s10 =	sld [smem:$0x3FB9];
	_ =	sdelay $0x3  }
0x36: {  	p1 =	seq.s32 s10, $0x1;
	s10 =	sld [smem:$0x3FBA];
	_ =	sdelay $0x3  }
0x37: {  	[smem:$0x3FBA] =	sst s10  }
0x38: {  	s10 =	sld [smem:$0x3FBB]  }
0x39: {  	_ = 	snop;
	(pc) =	sbr.ind lr, $3  }
0x3a: {  	_ = 	snop  }
0x3b: {  	_ = 	snop  }
0x3c: {  	p2 =	seq.s32 s10, $0x1;
	s10 =	sld [smem:$0x3FBA]  }
0x3d: {  	_ =	shalt  }
0x3e: {  	_ =	shalt  }
0x3f: {  	_ =	shalt  }
0x40: {  	_ =	shalt  }
0x41: {  	_ =	shalt  }
0x42: {  	_ =	shalt  }
0x43: {  	_ =	shalt  }
0x44: {  	_ =	shalt  }
0x45: {  	_ =	shalt  }
0x46: {  	_ =	shalt  }
0x47: {  	_ =	shalt  }
0x48: {  	_ =	shalt  }
0x49: {  	_ =	shalt  }
0x4a: {  	_ =	shalt  }
0x4b: {  	_ =	shalt  }
0x4c: {  	_ =	shalt  }
0x4d: {  	_ =	shalt  }
0x4e: {  	_ =	shalt  }
0x4f: {  	_ =	shalt  }
0x50: {  	_ =	shalt  }
0x51: {  	_ =	shalt  }
0x52: {  	_ =	shalt  }
0x53: {  	_ =	shalt  }
0x54: {  	_ =	shalt  }
0x55: {  	_ =	shalt  }
0x56: {  	_ =	shalt  }
0x57: {  	_ =	shalt  }
0x58: {  	_ =	shalt  }
0x59: {  	_ =	shalt  }
0x5a: {  	_ =	shalt  }
0x5b: {  	_ =	shalt  }
0x5c: {  	_ =	shalt  }
0x5d: {  	_ =	shalt  }
0x5e: {  	_ =	shalt  }
0x5f: {  	_ =	shalt  }
0x60: {  	_ =	shalt  }
0x61: {  	_ =	shalt  }
0x62: {  	_ =	shalt  }
0x63: {  	_ =	shalt  }
0x64: {  	_ =	shalt  }
0x65: {  	_ =	shalt  }
0x66: {  	_ =	shalt  }
0x67: {  	_ =	shalt  }
0x68: {  	_ =	shalt  }
0x69: {  	_ =	shalt  }
0x6a: {  	_ =	shalt  }
0x6b: {  	_ =	shalt  }
0x6c: {  	_ =	shalt  }
0x6d: {  	_ =	shalt  }
0x6e: {  	_ =	shalt  }
0x6f: {  	_ =	shalt  }
0x70: {  	_ =	shalt  }
0x71: {  	_ =	shalt  }
0x72: {  	_ =	shalt  }
0x73: {  	_ =	shalt  }
0x74: {  	_ =	shalt  }
0x75: {  	_ =	shalt  }
0x76: {  	_ =	shalt  }
0x77: {  	_ =	shalt  }
0x78: {  	_ =	shalt  }
0x79: {  	_ =	shalt  }
0x7a: {  	_ =	shalt  }
0x7b: {  	_ =	shalt  }
0x7c: {  	_ =	shalt  }
0x7d: {  	_ =	shalt  }
0x7e: {  	_ =	shalt  }
0x7f: {  	_ =	shalt  }
0x80: {  	_ =	shalt  }
0x81: {  	_ =	shalt  }
0x82: {  	_ =	shalt  }
0x83: {  	_ =	shalt  }
0x84: {  	_ =	shalt  }
0x85: {  	_ =	shalt  }
0x86: {  	_ =	shalt  }
0x87: {  	_ =	shalt  }
.Lfunc_end0:
.L_simem_size_0:
called_computation_lowered:
.L_overlay_start_0:
0x88: {  	s2 =	sld [smem:$0x3FD9]  }
0x89: {  	s3 =	sld [smem:$0x3FFE];
	_ =	sdelay $0x1  }
0x8a: {  	s1 =	srdreg.scid  }
0x8b: {  	s0 =	sand.u32 $0x1, s1  }
0x8c: {  	s17 =	sshll.u32 s0, $0xA;
	s2 =	sadd.s32 s3, s2  }
0x8d: {  	s2 =	sadd.s32 s2, s17  }
0x8e: {  	[smem:$0x3FC6] =	sst s2  }
0x8f: {  	_ = 	snop  }
0x90: {  	s2 =	sld [smem:$0x3FC8]  }
0x91: {  	s18 =	sld [smem:$0x3FD0];
	(tm) =	ssettm $0x1  }
0x92: {  	s4 =	sld [smem:$0x3FFB];
	_ =	sdelay $0x3  }
0x93: {  	_ =	strace s4  }
0x94: {  	s4 =	sld [smem:$0x3FFC];
	_ =	sdelay $0x3  }
0x95: {  	_ =	strace s4  }
0x96: {  	s4 =	sld [smem:$0x3FFD];
	_ =	sdelay $0x3  }
0x97: {  	_ =	strace s4  }
0x98: {  	_ =	strace $0x8FFFFFFF  }
0x99: {  	s19 =	sld [smem:$0x3FDB];
	_ =	sdelay $0x1  }
0x9a: {  	s5 =	simm.s32 $_scs_section_size  }
0x9b: {  	s6 =	simm.s32 $_size__tile_overlayer_lowered;
	s7 =	simm.s32 $_tile_overlayer_lowered  }
0x9c: {  	s22 =	simm.s32 $0x1BFF;
	s21 =	sshll.u32 s7, $0x1;
	s4 =	sadd.s32 s5, s19  }
0x9d: {  	s8 =	simm.s32 $0x0;
	s20 =	sshll.u32 s6, $0x1;
	s6 =	sadd.s32 s21, s4  }
0x9e: {  	[timem:s8], [sflag:s22] =	dma.local [hbm:s6], s20  }
0x9f: {  	_ =	swait.ge [sflag:s22], s20  }
0xa0: {  	s5 =	ssub.s32 $0x0, s20;
	[sflag:s22] =	ssyncset.done $0x0  }
0xa1: {  	[sflag:s22] =	ssyncadd.s32 s5;
	_ =	sdelay $0x1  }
0xa2: {  	s23 =	simm.s32 $0x1B8B  }
0xa3: {  	_ =	swait.ge [sflag:s23], $0x1  }
0xa4: {  	[sflag:s23] =	ssyncset.done $0x0  }
0xa5: {  	s25 =	simm.s32 $0x1B8E;
	s24 =	sld [smem:$0x3FFE];
	[sflag:s23] =	ssyncadd.s32 $0xFFFFFFFF  }
0xa6: {  	s26 =	simm.s32 $execute0_lowered;
	[smem:$0x3FD2] =	sst s25  }
0xa7: {  	s6 =	sshll.u32 s26, $0x1;
	_ =	strace $0x80000046;
	[dreg:$0x1] =	wrdreg $0xFFFFFFFF  }
0xa8: {  	s28 =	simm.s32 $_size_execute0_lowered;
	s4 =	sadd.s32 s4, s6;
	[dreg:$0x0] =	wrdreg $0x0  }
0xa9: {  	s6 =	sshll.u32 s28, $0x1;
	[dreg:$0x2] =	wrdreg s4  }
0xaa: {  	[dreg:$0x3] =	wrdreg s6  }
0xab: {  	[dreg:$0x4] =	wrdreg $0xC0  }
0xac: {  	_ =	task [dreg:s8], $0x5FFFF  }
0xad: {  	[dreg:$0x1] =	wrdreg $0xFFFFFFFF  }
0xae: {  	[dreg:$0x0] =	wrdreg $0x60  }
0xaf: {  	[dreg:$0x2] =	wrdreg s24  }
0xb0: {  	[dreg:$0x3] =	wrdreg s2  }
0xb1: {  	[dreg:$0x4] =	wrdreg s18  }
0xb2: {  	[dreg:$0x5] =	wrdreg $0x0  }
0xb3: {  	[dreg:$0x6] =	wrdreg $0x9  }
0xb4: {  	_ =	task.clear_ibuf [dreg:s8], $0x7FFFF;
	_ =	strace $0x90000046  }
0xb5: {  	s29 =	simm.s32 $0x9;
	_ =	strace $0x80000048  }
0xb6: {  	_ =	swait.ge [sflag:s29], $0x1  }
0xb7: {  	[sflag:s29] =	ssyncadd.s32 $0xFFFFFFFF  }
0xb8: {  	_ =	strace $0x90000048  }
0xb9: {  	_ =	sfence  }
0xba: {  	s30 =	sld [smem:$0x0];
	_ =	sdelay $0x2  }
0xbb: {  	s31 =	sshll.u32 s1, $0xD;
	s1 =	sshrl.u32 s1, $0x2  }
0xbc: {  	s3 =	sand.u32 $0x4000, s31;
	s1 =	sadd.s32 s1, s30  }
0xbd: {  	s0 =	sor.u32 s3, s0;
	s1 =	sshll.u32 s1, $0x11  }
0xbe: {  	s0 =	sor.u32 s1, s0  }
0xbf: {  	s0 =	sadd.s32 $0x8F2B, s0  }
0xc0: {  	[sflag:s0] =	ssyncadd.remote.s32 $0x1  }
0xc1: {  	_ =	sfence.sel $0xFFFF  }
0xc2: {  	[dreg:$0x0] =	wrdreg $0xFFFFFFFF;
	(pc) =	sbr.abs _section_cstart, $3  }
0xc3: {  	[dreg:$0x1] =	wrdreg $0xFFFFFFFF  }
0xc4: {  	_ =	task.clear_ibuf [dreg:s8], $0x2FFFF;
	_ =	strace $0x9FFFFFFF  }
0xc5: {  	(tm) =	ssettm $0x7FFFFFFF  }
tec
execute0_lowered:
.L_overlay_start_1:
0x0: {  	(tag) =	ssettag $0x1  }
0x1: {  	s0 =	rddreg [dreg:$0x0]  }
0x2: {  	s1 =	rddreg [dreg:$0x1]  }
0x3: {  	s4 =	rddreg [dreg:$0x2]  }
0x4: {  	s2 =	rddreg [dreg:$0x3];
	s3 =	simm.s32 $0x0  }
0x5: {  	s5 =	srdreg.scid;
	s6 =	stileid.u32;
	s25 =	simm.s32 $0x6A8  }
0x6: {  	s26 =	simm.s32 $0x7A8;
	s28 =	simm.s32 $0x8A8;
	s30 =	simm.s32 $0x9A8  }
0x7: {  	s29 =	simm.s32 $0x60;
	s12 =	simm.s32 $0x12;
	s13 =	simm.s32 $0x13  }
0x8: {  	[smem:$0x7FF] =	sst s3;
	s9 =	sadd.s32 $0x600, s0;
	s0 =	sadd.s32 $0x19600, s0  }
0x9: {  	s31 =	simm.s32 $0x3E40;
	_ =	strace $0x80000047;
	[dreg:$0xa] =	wrdreg s0  }
0xa: {  	s7 =	sand.u32 $0x1, s5;
	s8 =	smul.u32 $0xC8000, s6;
	[dreg:$0x6] =	wrdreg s25  }
0xb: {  	s10 =	smul.u32 $0xC800, s6;
	p0 =	sne.s32 s6, $0x0;
	[dreg:$0x7] =	wrdreg s26  }
0xc: {  	s5 =	ssub.s32 $0x2, s7;
	s11 =	smul.u32 $0x6400, s7;
	[dreg:$0x8] =	wrdreg s28  }
0xd: {  	s7 =	smul.u32 $0x64000, s7;
	[dreg:$0x9] =	wrdreg s30;
	s15 =	sshrl.u32 s5, $0x1  }
0xe: {  	s26 =	simm.s32 $0x68;
	s16 =	sadd.s32 s8, s4;
	s0 =	ssub.s32 s5, s15  }
0xf: {  	s5 =	sadd.s32 $0x3400, s2;
	s17 =	sadd.s32 s11, s10;
	s0 =	smax.u32 s0, $0x1  }
0x10: {  	s18 =	sor.u32 $0x258, s17;
	s19 =	sor.u32 $0x190, s17;
	s23 =	sor.u32 $0xC8, s17  }
0x11: {  	s4 =	sshrl.u32 s17, $0x3;
	[dreg:$0xb] =	wrdreg s0;
	s0 =	sadd.s32 s7, s16  }
0x12: {  	s20 =	sshrl.u32 s18, $0x3;
	s24 =	sadd.s32 s4, s9;
	[dreg:$0x5] =	wrdreg s0  }
0x13: {  	s21 =	sshrl.u32 s19, $0x3;
	s0 =	sadd.s32 s20, s9;
	[dreg:$0xf] =	wrdreg s24  }
0x14: {  	s22 =	sadd.s32 s21, s9;
	[dreg:$0xc] =	wrdreg s0;
	s0 =	sshrl.u32 s23, $0x3  }
0x15: {  	s15 =	simm.s32 $0x14;
	[dreg:$0xd] =	wrdreg s22;
	s0 =	sadd.s32 s0, s9  }
0x16: {  	s4 =	simm.s32 $0x0;
	[dreg:$0xe] =	wrdreg s0;
	s0 =	sshrl.u32 @!p0 s2, $0x3  }
0x17: {  	s20 =	simm.s32 $0x10;
	s23 =	simm.s32 $0x11;
	[dreg:$0x10] =	wrdreg s0  }
.LBB2_1:
0x18: {  	[dreg:$0x11] =	wrdreg s4  }
0x19: {  	s18 =	rddreg [dreg:$0xa]  }
0x1a: {  	s16 =	simm.s32 @!p0 $0x1C1D;
	s19 =	rddreg [dreg:$0x10]  }
0x1b: {  	[spmem:s19], [sflag:s16] =	dma.local @!p0 [hbm:s18], $0xC80  }
0x1c: {  	s16 =	simm.s32 @!p0 $0x1D  }
0x1d: {  	_ =	swait.ge @!p0 [sflag:s16], $0xC80  }
0x1e: {  	[sflag:s16] =	ssyncset.done @!p0 $0x0  }
0x1f: {  	p1 =	por $0x1, $0x1;
	[sflag:s16] =	ssyncadd.s32 @!p0 $0xFFFFF380  }
0x20: {  	s16 =	simm.s32 @!p1 $0x15;
	[bflag:$0x0] =	sbarrier.arrive $0xFFFF  }
0x21: {  	_ =	swait.ge @!p1 [sflag:s16], $0x3400  }
0x22: {  	[sflag:s16] =	ssyncset.done @!p1 $0x0  }
0x23: {  	[sflag:s16] =	ssyncadd.s32 @!p1 $0xFFFFCC00;
	s16 =	simm.s32 @!p1 $0x16  }
0x24: {  	_ =	swait.ge @!p1 [sflag:s16], $0x3000  }
0x25: {  	[sflag:s16] =	ssyncset.done @!p1 $0x0  }
0x26: {  	s22 =	simm.s32 $0xA40;
	[sflag:s16] =	ssyncadd.s32 @!p1 $0xFFFFD000  }
0x27: {  	[tilespmem:s22], [sflag:$0x1] =	stream.linear.gather [spmem:s2], $0x3400, $0x38;
	[tilespmem:$0x19A40] =	vst v63  }
0x28: {  	s24 =	simm.s32 $0x3E40  }
0x29: {  	[tilespmem:s24], [sflag:$0x2] =	stream.linear.gather [spmem:s5], $0x3000, $0x38;
	[tilespmem:$0x19A40] =	vst v63  }
0x2a: {  	s0 =	simm.s32 $0x640;
	s18 =	rddreg [dreg:$0xf];
	s16 =	simm.s32 @!p1 $0x17  }
0x2b: {  	[tilespmem:s0], [sflag:$0x9] =	stream.linear.gather [hbm4b:s18+s3], $0xC8, $0x38;
	[tilespmem:$0x19A40] =	vst v63  }
0x2c: {  	_ =	swait.ge @!p1 [sflag:s16], $0x3400  }
0x2d: {  	[sflag:s16] =	ssyncset.done @!p1 $0x0  }
0x2e: {  	[sflag:s16] =	ssyncadd.s32 @!p1 $0xFFFFCC00;
	s16 =	simm.s32 @!p1 $0x18  }
0x2f: {  	_ =	swait.ge @!p1 [sflag:s16], $0x3000  }
0x30: {  	[sflag:s16] =	ssyncset.done @!p1 $0x0  }
0x31: {  	s4 =	simm.s32 $0x6E40;
	[sflag:s16] =	ssyncadd.s32 @!p1 $0xFFFFD000  }
0x32: {  	[tilespmem:s4], [sflag:$0x3] =	stream.linear.gather [spmem:s2], $0x3400, $0x38;
	[tilespmem:$0x19A40] =	vst v63  }
0x33: {  	s6 =	simm.s32 $0xA240  }
0x34: {  	[tilespmem:s6], [sflag:$0x4] =	stream.linear.gather [spmem:s5], $0x3000, $0x38;
	[tilespmem:$0x19A40] =	vst v63  }
0x35: {  	s11 =	simm.s32 $0x740;
	s21 =	rddreg [dreg:$0xe];
	s16 =	simm.s32 @!p1 $0x19  }
0x36: {  	[tilespmem:s11], [sflag:$0xA] =	stream.linear.gather [hbm4b:s21+s3], $0xC8, $0x38;
	[tilespmem:$0x19A40] =	vst v63  }
0x37: {  	_ =	swait.ge @!p1 [sflag:s16], $0x3400  }
0x38: {  	[sflag:s16] =	ssyncset.done @!p1 $0x0  }
0x39: {  	[sflag:s16] =	ssyncadd.s32 @!p1 $0xFFFFCC00;
	s16 =	simm.s32 @!p1 $0x1A  }
0x3a: {  	_ =	swait.ge @!p1 [sflag:s16], $0x3000  }
0x3b: {  	[sflag:s16] =	ssyncset.done @!p1 $0x0  }
0x3c: {  	s7 =	simm.s32 $0xD240;
	[sflag:s16] =	ssyncadd.s32 @!p1 $0xFFFFD000  }
0x3d: {  	[tilespmem:s7], [sflag:$0x5] =	stream.linear.gather [spmem:s2], $0x3400, $0x38;
	[tilespmem:$0x19A40] =	vst v63  }
0x3e: {  	s8 =	simm.s32 $0x10640  }
0x3f: {  	[tilespmem:s8], [sflag:$0x6] =	stream.linear.gather [spmem:s5], $0x3000, $0x38;
	[tilespmem:$0x19A40] =	vst v63  }
0x40: {  	s9 =	simm.s32 $0x840;
	s28 =	rddreg [dreg:$0xd];
	s16 =	simm.s32 @!p1 $0x1B  }
0x41: {  	[tilespmem:s9], [sflag:$0xB] =	stream.linear.gather [hbm4b:s28+s3], $0xC8, $0x38;
	[tilespmem:$0x19A40] =	vst v63  }
0x42: {  	_ =	swait.ge @!p1 [sflag:s16], $0x3400  }
0x43: {  	[sflag:s16] =	ssyncset.done @!p1 $0x0  }
0x44: {  	[sflag:s16] =	ssyncadd.s32 @!p1 $0xFFFFCC00;
	s16 =	simm.s32 @!p1 $0x1C  }
0x45: {  	_ =	swait.ge @!p1 [sflag:s16], $0x3000  }
0x46: {  	[sflag:s16] =	ssyncset.done @!p1 $0x0  }
0x47: {  	s10 =	simm.s32 $0x13640;
	[sflag:s16] =	ssyncadd.s32 @!p1 $0xFFFFD000  }
0x48: {  	[tilespmem:s10], [sflag:$0x7] =	stream.linear.gather [spmem:s2], $0x3400, $0x38;
	[tilespmem:$0x19A40] =	vst v63  }
0x49: {  	s14 =	simm.s32 $0x16A40  }
0x4a: {  	[tilespmem:s14], [sflag:$0x8] =	stream.linear.gather [spmem:s5], $0x3000, $0x38;
	[tilespmem:$0x19A40] =	vst v63  }
0x4b: {  	s17 =	simm.s32 $0x940;
	s25 =	simm.s32 $0x9;
	s19 =	rddreg [dreg:$0xc]  }
0x4c: {  	[tilespmem:s17], [sflag:$0xC] =	stream.linear.gather [hbm4b:s19+s3], $0xC8, $0x38;
	[tilespmem:$0x19A40] =	vst v63  }
0x4d: {  	_ =	swait.ge [sflag:s25], $0xC8  }
0x4e: {  	[sflag:s25] =	ssyncset.done $0x0  }
0x4f: {  	s30 =	simm.s32 $0x1;
	[sflag:s25] =	ssyncadd.s32 $0xFFFFFF38  }
0x50: {  	_ =	swait.ge [sflag:s30], $0x3400  }
0x51: {  	[sflag:s30] =	ssyncset.done $0x0  }
0x52: {  	s16 =	simm.s32 $0x2;
	[sflag:s30] =	ssyncadd.s32 $0xFFFFCC00  }
0x53: {  	[tilespmem:s22], [sflag:$0xD] =	stream.indirect.gather.add.f32 [hbm:s1], $0x80, s0, s26, $0xb8;
	[tilespmem:$0x19A40] =	vst v63  }
0x54: {  	_ =	swait.ge [sflag:s16], $0x3000  }
0x55: {  	[sflag:s16] =	ssyncset.done $0x0  }
0x56: {  	s30 =	simm.s32 $0xA;
	s25 =	rddreg [dreg:$0x6];
	[sflag:s16] =	ssyncadd.s32 $0xFFFFD000  }
0x57: {  	[tilespmem:s24], [sflag:$0xE] =	stream.indirect.gather.add.f32 [hbm:s1], $0x80, s25, s29, $0xb8;
	[tilespmem:$0x19A40] =	vst v63  }
0x58: {  	_ =	swait.ge [sflag:s30], $0xC8  }
0x59: {  	[sflag:s30] =	ssyncset.done $0x0  }
0x5a: {  	s16 =	simm.s32 $0x3;
	[sflag:s30] =	ssyncadd.s32 $0xFFFFFF38  }
0x5b: {  	_ =	swait.ge [sflag:s16], $0x3400  }
0x5c: {  	[sflag:s16] =	ssyncset.done $0x0  }
0x5d: {  	s25 =	simm.s32 $0x4;
	[sflag:s16] =	ssyncadd.s32 $0xFFFFCC00  }
0x5e: {  	[tilespmem:s4], [sflag:$0xF] =	stream.indirect.gather.add.f32 [hbm:s1], $0x80, s11, s26, $0xb8;
	[tilespmem:$0x19A40] =	vst v63  }
0x5f: {  	_ =	swait.ge [sflag:s25], $0x3000  }
0x60: {  	[sflag:s25] =	ssyncset.done $0x0  }
0x61: {  	s11 =	simm.s32 $0xB;
	s30 =	rddreg [dreg:$0x7];
	[sflag:s25] =	ssyncadd.s32 $0xFFFFD000  }
0x62: {  	[tilespmem:s6], [sflag:$0x10] =	stream.indirect.gather.add.f32 [hbm:s1], $0x80, s30, s29, $0xb8;
	[tilespmem:$0x19A40] =	vst v63  }
0x63: {  	_ =	swait.ge [sflag:s11], $0xC8  }
0x64: {  	[sflag:s11] =	ssyncset.done $0x0  }
0x65: {  	s16 =	simm.s32 $0x5;
	[sflag:s11] =	ssyncadd.s32 $0xFFFFFF38  }
0x66: {  	_ =	swait.ge [sflag:s16], $0x3400  }
0x67: {  	[sflag:s16] =	ssyncset.done $0x0  }
0x68: {  	s25 =	simm.s32 $0x6;
	[sflag:s16] =	ssyncadd.s32 $0xFFFFCC00  }
0x69: {  	[tilespmem:s7], [sflag:$0x11] =	stream.indirect.gather.add.f32 [hbm:s1], $0x80, s9, s26, $0xb8;
	[tilespmem:$0x19A40] =	vst v63  }
0x6a: {  	_ =	swait.ge [sflag:s25], $0x3000  }
0x6b: {  	[sflag:s25] =	ssyncset.done $0x0  }
0x6c: {  	s9 =	simm.s32 $0xC;
	s30 =	rddreg [dreg:$0x8];
	[sflag:s25] =	ssyncadd.s32 $0xFFFFD000  }
0x6d: {  	[tilespmem:s8], [sflag:$0x12] =	stream.indirect.gather.add.f32 [hbm:s1], $0x80, s30, s29, $0xb8;
	[tilespmem:$0x19A40] =	vst v63  }
0x6e: {  	_ =	swait.ge [sflag:s9], $0xC8  }
0x6f: {  	[sflag:s9] =	ssyncset.done $0x0  }
0x70: {  	s11 =	simm.s32 $0x7;
	[sflag:s9] =	ssyncadd.s32 $0xFFFFFF38  }
0x71: {  	_ =	swait.ge [sflag:s11], $0x3400  }
0x72: {  	[sflag:s11] =	ssyncset.done $0x0  }
0x73: {  	s16 =	simm.s32 $0x8;
	[sflag:s11] =	ssyncadd.s32 $0xFFFFCC00  }
0x74: {  	[tilespmem:s10], [sflag:$0x13] =	stream.indirect.gather.add.f32 [hbm:s1], $0x80, s17, s26, $0xb8;
	[tilespmem:$0x19A40] =	vst v63  }
0x75: {  	_ =	swait.ge [sflag:s16], $0x3000  }
0x76: {  	[sflag:s16] =	ssyncset.done $0x0  }
0x77: {  	s25 =	simm.s32 $0xD;
	s17 =	rddreg [dreg:$0x9];
	[sflag:s16] =	ssyncadd.s32 $0xFFFFD000  }
0x78: {  	[tilespmem:s14], [sflag:$0x14] =	stream.indirect.gather.add.f32 [hbm:s1], $0x80, s17, s29, $0xb8;
	[tilespmem:$0x19A40] =	vst v63  }
0x79: {  	_ =	swait.ge [sflag:s25], $0x3400  }
0x7a: {  	s30 =	rddreg [dreg:$0x5];
	[sflag:s25] =	ssyncset.done $0x0  }
0x7b: {  	s9 =	simm.s32 $0xE;
	[sflag:s25] =	ssyncadd.s32 $0xFFFFCC00;
	s25 =	sadd.s32 $0x0, s30  }
0x7c: {  	[hbm4b:s25+s3] =	stream.linear.scatter [tilespmem:s22], [sflag:$0x15], $0x3400, $0x38;
	[tilespmem:$0x19A40] =	vst v63  }
0x7d: {  	_ =	swait.ge [sflag:s9], $0x3000  }
0x7e: {  	[sflag:s9] =	ssyncset.done $0x0  }
0x7f: {  	s11 =	simm.s32 $0xF;
	s16 =	sadd.s32 $0x680, s25;
	[sflag:s9] =	ssyncadd.s32 $0xFFFFD000  }
0x80: {  	[hbm4b:s16+s3] =	stream.linear.scatter [tilespmem:s24], [sflag:$0x16], $0x3000, $0x38;
	[tilespmem:$0x19A40] =	vst v63  }
0x81: {  	_ =	swait.ge [sflag:s11], $0x3400  }
0x82: {  	[sflag:s11] =	ssyncset.done $0x0  }
0x83: {  	s14 =	sadd.s32 $0xC80, s25;
	[sflag:s11] =	ssyncadd.s32 $0xFFFFCC00  }
0x84: {  	[hbm4b:s14+s3] =	stream.linear.scatter [tilespmem:s4], [sflag:$0x17], $0x3400, $0x38;
	[tilespmem:$0x19A40] =	vst v63  }
0x85: {  	_ =	swait.ge [sflag:s20], $0x3000  }
0x86: {  	[sflag:s20] =	ssyncset.done $0x0  }
0x87: {  	s17 =	sadd.s32 $0x1300, s25;
	[sflag:s20] =	ssyncadd.s32 $0xFFFFD000  }
0x88: {  	[hbm4b:s17+s3] =	stream.linear.scatter [tilespmem:s6], [sflag:$0x18], $0x3000, $0x38;
	[tilespmem:$0x19A40] =	vst v63  }
0x89: {  	_ =	swait.ge [sflag:s23], $0x3400  }
0x8a: {  	[sflag:s23] =	ssyncset.done $0x0  }
0x8b: {  	s22 =	sadd.s32 $0x1900, s25;
	[sflag:s23] =	ssyncadd.s32 $0xFFFFCC00  }
0x8c: {  	[hbm4b:s22+s3] =	stream.linear.scatter [tilespmem:s7], [sflag:$0x19], $0x3400, $0x38;
	[tilespmem:$0x19A40] =	vst v63  }
0x8d: {  	_ =	swait.ge [sflag:s12], $0x3000  }
0x8e: {  	[sflag:s12] =	ssyncset.done $0x0  }
0x8f: {  	s24 =	sadd.s32 $0x1F80, s25;
	[sflag:s12] =	ssyncadd.s32 $0xFFFFD000  }
0x90: {  	[hbm4b:s24+s3] =	stream.linear.scatter [tilespmem:s8], [sflag:$0x1A], $0x3000, $0x38;
	[tilespmem:$0x19A40] =	vst v63  }
0x91: {  	p2 =	por $0x0, $0x0;
	_ =	swait.ge [sflag:s13], $0x3400  }
0x92: {  	s21 =	sadd.s32 $0x64, s21;
	s30 =	sadd.s32 $0x2580, s25;
	[sflag:s13] =	ssyncset.done $0x0  }
0x93: {  	s16 =	simm.s32 $0x3200;
	s22 =	sadd.s32 $0x64, s18;
	[sflag:s13] =	ssyncadd.s32 $0xFFFFCC00  }
0x94: {  	[hbm4b:s30+s3] =	stream.linear.scatter [tilespmem:s10], [sflag:$0x1B], $0x3400, $0x38;
	[tilespmem:$0x19A40] =	vst v63  }
0x95: {  	s18 =	sadd.s32 $0x64, s19;
	s19 =	sadd.s32 $0x64, s28;
	_ =	swait.ge [sflag:s15], $0x3000  }
0x96: {  	s28 =	sadd.s32 $0x2C00, s25;
	s24 =	simm.s32 $0x6400;
	[sflag:s15] =	ssyncset.done $0x0  }
.LBB2_2:
0x97: {  	s30 =	simm.s32 @!p2 $0x15;
	[sflag:s15] =	ssyncadd.s32 $0xFFFFD000;
	s14 =	simm.s32 $0x16A40  }
0x98: {  	[hbm4b:s28+s3] =	stream.linear.scatter [tilespmem:s14], [sflag:$0x1C], $0x3000, $0x38;
	[tilespmem:$0x19A40] =	vst v63  }
0x99: {  	_ =	swait.ge @!p2 [sflag:s30], $0x3400  }
0x9a: {  	[sflag:s30] =	ssyncset.done @!p2 $0x0  }
0x9b: {  	s28 =	simm.s32 @!p2 $0x16;
	[sflag:s30] =	ssyncadd.s32 @!p2 $0xFFFFCC00  }
0x9c: {  	_ =	swait.ge @!p2 [sflag:s28], $0x3000  }
0x9d: {  	[sflag:s28] =	ssyncset.done @!p2 $0x0  }
0x9e: {  	s30 =	simm.s32 $0xA40;
	[sflag:s28] =	ssyncadd.s32 @!p2 $0xFFFFD000  }
0x9f: {  	[tilespmem:s30], [sflag:$0x1] =	stream.linear.gather [spmem:s2], $0x3400, $0x38;
	[tilespmem:$0x19A40] =	vst v63  }
0xa0: {  	_ = 	snop  }
0xa1: {  	[tilespmem:s31], [sflag:$0x2] =	stream.linear.gather [spmem:s5], $0x3000, $0x38;
	[tilespmem:$0x19A40] =	vst v63  }
0xa2: {  	s0 =	simm.s32 $0x640;
	s28 =	simm.s32 @!p2 $0x17  }
0xa3: {  	[tilespmem:s0], [sflag:$0x9] =	stream.linear.gather [hbm4b:s22+s3], $0xC8, $0x38;
	[tilespmem:$0x19A40] =	vst v63  }
0xa4: {  	_ =	swait.ge @!p2 [sflag:s28], $0x3400  }
0xa5: {  	[sflag:s28] =	ssyncset.done @!p2 $0x0  }
0xa6: {  	[sflag:s28] =	ssyncadd.s32 @!p2 $0xFFFFCC00;
	s28 =	simm.s32 @!p2 $0x18  }
0xa7: {  	_ =	swait.ge @!p2 [sflag:s28], $0x3000  }
0xa8: {  	[sflag:s28] =	ssyncset.done @!p2 $0x0  }
0xa9: {  	s4 =	simm.s32 $0x6E40;
	[sflag:s28] =	ssyncadd.s32 @!p2 $0xFFFFD000  }
0xaa: {  	[tilespmem:s4], [sflag:$0x3] =	stream.linear.gather [spmem:s2], $0x3400, $0x38;
	[tilespmem:$0x19A40] =	vst v63  }
0xab: {  	s6 =	simm.s32 $0xA240  }
0xac: {  	[tilespmem:s6], [sflag:$0x4] =	stream.linear.gather [spmem:s5], $0x3000, $0x38;
	[tilespmem:$0x19A40] =	vst v63  }
0xad: {  	s11 =	simm.s32 $0x740;
	s28 =	simm.s32 @!p2 $0x19  }
0xae: {  	[tilespmem:s11], [sflag:$0xA] =	stream.linear.gather [hbm4b:s21+s3], $0xC8, $0x38;
	[tilespmem:$0x19A40] =	vst v63  }
0xaf: {  	_ =	swait.ge @!p2 [sflag:s28], $0x3400  }
0xb0: {  	[sflag:s28] =	ssyncset.done @!p2 $0x0  }
0xb1: {  	[sflag:s28] =	ssyncadd.s32 @!p2 $0xFFFFCC00;
	s28 =	simm.s32 @!p2 $0x1A  }
0xb2: {  	_ =	swait.ge @!p2 [sflag:s28], $0x3000  }
0xb3: {  	[sflag:s28] =	ssyncset.done @!p2 $0x0  }
0xb4: {  	s7 =	simm.s32 $0xD240;
	[sflag:s28] =	ssyncadd.s32 @!p2 $0xFFFFD000  }
0xb5: {  	[tilespmem:s7], [sflag:$0x5] =	stream.linear.gather [spmem:s2], $0x3400, $0x38;
	[tilespmem:$0x19A40] =	vst v63  }
0xb6: {  	s8 =	simm.s32 $0x10640  }
0xb7: {  	[tilespmem:s8], [sflag:$0x6] =	stream.linear.gather [spmem:s5], $0x3000, $0x38;
	[tilespmem:$0x19A40] =	vst v63  }
0xb8: {  	s9 =	simm.s32 $0x840;
	s28 =	simm.s32 @!p2 $0x1B  }
0xb9: {  	[tilespmem:s9], [sflag:$0xB] =	stream.linear.gather [hbm4b:s19+s3], $0xC8, $0x38;
	[tilespmem:$0x19A40] =	vst v63  }
0xba: {  	_ =	swait.ge @!p2 [sflag:s28], $0x3400  }
0xbb: {  	[sflag:s28] =	ssyncset.done @!p2 $0x0  }
0xbc: {  	[sflag:s28] =	ssyncadd.s32 @!p2 $0xFFFFCC00;
	s28 =	simm.s32 @!p2 $0x1C  }
0xbd: {  	_ =	swait.ge @!p2 [sflag:s28], $0x3000  }
0xbe: {  	[sflag:s28] =	ssyncset.done @!p2 $0x0  }
0xbf: {  	s10 =	simm.s32 $0x13640;
	[sflag:s28] =	ssyncadd.s32 @!p2 $0xFFFFD000  }
0xc0: {  	[tilespmem:s10], [sflag:$0x7] =	stream.linear.gather [spmem:s2], $0x3400, $0x38;
	[tilespmem:$0x19A40] =	vst v63  }
0xc1: {  	_ = 	snop  }
0xc2: {  	[tilespmem:s14], [sflag:$0x8] =	stream.linear.gather [spmem:s5], $0x3000, $0x38;
	[tilespmem:$0x19A40] =	vst v63  }
0xc3: {  	s17 =	simm.s32 $0x940;
	s28 =	simm.s32 $0x9  }
0xc4: {  	[tilespmem:s17], [sflag:$0xC] =	stream.linear.gather [hbm4b:s18+s3], $0xC8, $0x38;
	[tilespmem:$0x19A40] =	vst v63  }
0xc5: {  	_ =	swait.ge [sflag:s28], $0xC8  }
0xc6: {  	[sflag:s28] =	ssyncset.done $0x0  }
0xc7: {  	[sflag:s28] =	ssyncadd.s32 $0xFFFFFF38;
	s28 =	simm.s32 $0x1  }
0xc8: {  	_ =	swait.ge [sflag:s28], $0x3400  }
0xc9: {  	[sflag:s28] =	ssyncset.done $0x0  }
0xca: {  	[sflag:s28] =	ssyncadd.s32 $0xFFFFCC00  }
0xcb: {  	[tilespmem:s30], [sflag:$0xD] =	stream.indirect.gather.add.f32 [hbm:s1], $0x80, s0, s26, $0xb8;
	[tilespmem:$0x19A40] =	vst v63  }
0xcc: {  	s0 =	simm.s32 $0x2  }
0xcd: {  	_ =	swait.ge [sflag:s0], $0x3000  }
0xce: {  	[sflag:s0] =	ssyncset.done $0x0  }
0xcf: {  	s28 =	rddreg [dreg:$0x6];
	[sflag:s0] =	ssyncadd.s32 $0xFFFFD000;
	s0 =	simm.s32 $0xA  }
0xd0: {  	[tilespmem:s31], [sflag:$0xE] =	stream.indirect.gather.add.f32 [hbm:s1], $0x80, s28, s29, $0xb8;
	[tilespmem:$0x19A40] =	vst v63  }
0xd1: {  	_ =	swait.ge [sflag:s0], $0xC8  }
0xd2: {  	[sflag:s0] =	ssyncset.done $0x0  }
0xd3: {  	[sflag:s0] =	ssyncadd.s32 $0xFFFFFF38;
	s0 =	simm.s32 $0x3  }
0xd4: {  	_ =	swait.ge [sflag:s0], $0x3400  }
0xd5: {  	[sflag:s0] =	ssyncset.done $0x0  }
0xd6: {  	[sflag:s0] =	ssyncadd.s32 $0xFFFFCC00  }
0xd7: {  	[tilespmem:s4], [sflag:$0xF] =	stream.indirect.gather.add.f32 [hbm:s1], $0x80, s11, s26, $0xb8;
	[tilespmem:$0x19A40] =	vst v63  }
0xd8: {  	s11 =	simm.s32 $0x4  }
0xd9: {  	_ =	swait.ge [sflag:s11], $0x3000  }
0xda: {  	[sflag:s11] =	ssyncset.done $0x0  }
0xdb: {  	s28 =	rddreg [dreg:$0x7];
	[sflag:s11] =	ssyncadd.s32 $0xFFFFD000;
	s11 =	simm.s32 $0xB  }
0xdc: {  	[tilespmem:s6], [sflag:$0x10] =	stream.indirect.gather.add.f32 [hbm:s1], $0x80, s28, s29, $0xb8;
	[tilespmem:$0x19A40] =	vst v63  }
0xdd: {  	_ =	swait.ge [sflag:s11], $0xC8  }
0xde: {  	[sflag:s11] =	ssyncset.done $0x0  }
0xdf: {  	[sflag:s11] =	ssyncadd.s32 $0xFFFFFF38;
	s11 =	simm.s32 $0x5  }
0xe0: {  	_ =	swait.ge [sflag:s11], $0x3400  }
0xe1: {  	[sflag:s11] =	ssyncset.done $0x0  }
0xe2: {  	[sflag:s11] =	ssyncadd.s32 $0xFFFFCC00;
	s11 =	simm.s32 $0x6  }
0xe3: {  	[tilespmem:s7], [sflag:$0x11] =	stream.indirect.gather.add.f32 [hbm:s1], $0x80, s9, s26, $0xb8;
	[tilespmem:$0x19A40] =	vst v63  }
0xe4: {  	_ =	swait.ge [sflag:s11], $0x3000  }
0xe5: {  	[sflag:s11] =	ssyncset.done $0x0  }
0xe6: {  	s9 =	simm.s32 $0xC;
	s28 =	rddreg [dreg:$0x8];
	[sflag:s11] =	ssyncadd.s32 $0xFFFFD000  }
0xe7: {  	[tilespmem:s8], [sflag:$0x12] =	stream.indirect.gather.add.f32 [hbm:s1], $0x80, s28, s29, $0xb8;
	[tilespmem:$0x19A40] =	vst v63  }
0xe8: {  	_ =	swait.ge [sflag:s9], $0xC8  }
0xe9: {  	[sflag:s9] =	ssyncset.done $0x0  }
0xea: {  	s11 =	simm.s32 $0x7;
	[sflag:s9] =	ssyncadd.s32 $0xFFFFFF38  }
0xeb: {  	_ =	swait.ge [sflag:s11], $0x3400  }
0xec: {  	[sflag:s11] =	ssyncset.done $0x0  }
0xed: {  	s9 =	simm.s32 $0x8;
	[sflag:s11] =	ssyncadd.s32 $0xFFFFCC00  }
0xee: {  	[tilespmem:s10], [sflag:$0x13] =	stream.indirect.gather.add.f32 [hbm:s1], $0x80, s17, s26, $0xb8;
	[tilespmem:$0x19A40] =	vst v63  }
0xef: {  	_ =	swait.ge [sflag:s9], $0x3000  }
0xf0: {  	[sflag:s9] =	ssyncset.done $0x0  }
0xf1: {  	s11 =	simm.s32 $0xD;
	s28 =	rddreg [dreg:$0x9];
	[sflag:s9] =	ssyncadd.s32 $0xFFFFD000  }
0xf2: {  	[tilespmem:s14], [sflag:$0x14] =	stream.indirect.gather.add.f32 [hbm:s1], $0x80, s28, s29, $0xb8;
	[tilespmem:$0x19A40] =	vst v63  }
0xf3: {  	_ =	swait.ge [sflag:s11], $0x3400  }
0xf4: {  	s28 =	rddreg [dreg:$0x5];
	[sflag:s11] =	ssyncset.done $0x0  }
0xf5: {  	s14 =	simm.s32 $0xE;
	[sflag:s11] =	ssyncadd.s32 $0xFFFFCC00;
	s28 =	sadd.s32 s16, s28  }
0xf6: {  	[hbm4b:s28+s3] =	stream.linear.scatter [tilespmem:s30], [sflag:$0x15], $0x3400, $0x38;
	[tilespmem:$0x19A40] =	vst v63  }
0xf7: {  	_ =	swait.ge [sflag:s14], $0x3000  }
0xf8: {  	[sflag:s14] =	ssyncset.done $0x0  }
0xf9: {  	s17 =	sadd.s32 $0x680, s28;
	s30 =	simm.s32 $0xF;
	[sflag:s14] =	ssyncadd.s32 $0xFFFFD000  }
0xfa: {  	[hbm4b:s17+s3] =	stream.linear.scatter [tilespmem:s31], [sflag:$0x16], $0x3000, $0x38;
	[tilespmem:$0x19A40] =	vst v63  }
0xfb: {  	_ =	swait.ge [sflag:s30], $0x3400  }
0xfc: {  	[sflag:s30] =	ssyncset.done $0x0  }
0xfd: {  	s9 =	sadd.s32 $0xC80, s28;
	[sflag:s30] =	ssyncadd.s32 $0xFFFFCC00  }
0xfe: {  	[hbm4b:s9+s3] =	stream.linear.scatter [tilespmem:s4], [sflag:$0x17], $0x3400, $0x38;
	[tilespmem:$0x19A40] =	vst v63  }
0xff: {  	_ =	swait.ge [sflag:s20], $0x3000  }
0x100: {  	[sflag:s20] =	ssyncset.done $0x0  }
0x101: {  	s11 =	sadd.s32 $0x1300, s28;
	[sflag:s20] =	ssyncadd.s32 $0xFFFFD000  }
0x102: {  	[hbm4b:s11+s3] =	stream.linear.scatter [tilespmem:s6], [sflag:$0x18], $0x3000, $0x38;
	[tilespmem:$0x19A40] =	vst v63  }
0x103: {  	_ =	swait.ge [sflag:s23], $0x3400  }
0x104: {  	[sflag:s23] =	ssyncset.done $0x0  }
0x105: {  	s14 =	sadd.s32 $0x1900, s28;
	[sflag:s23] =	ssyncadd.s32 $0xFFFFCC00  }
0x106: {  	[hbm4b:s14+s3] =	stream.linear.scatter [tilespmem:s7], [sflag:$0x19], $0x3400, $0x38;
	[tilespmem:$0x19A40] =	vst v63  }
0x107: {  	_ =	swait.ge [sflag:s12], $0x3000  }
0x108: {  	s25 =	smov.u32 s24;
	[sflag:s12] =	ssyncset.done $0x0  }
0x109: {  	s24 =	sadd.s32 $0x3200, s24;
	s17 =	sadd.s32 $0x1F80, s28;
	[sflag:s12] =	ssyncadd.s32 $0xFFFFD000  }
0x10a: {  	[hbm4b:s17+s3] =	stream.linear.scatter [tilespmem:s8], [sflag:$0x1A], $0x3000, $0x38;
	[tilespmem:$0x19A40] =	vst v63  }
0x10b: {  	p1 =	sne.s32 s24, $0x64000;
	s22 =	sadd.s32 $0x64, s22;
	_ =	swait.ge [sflag:s13], $0x3400  }
.Ltmp0:
0x10c: {  	s21 =	sadd.s32 $0x64, s21;
	[sflag:s13] =	ssyncset.done $0x0;
	(pc) =	sbr.rel @p1 .LBB2_2-.Ltmp0, $4  }
0x10d: {  	s19 =	sadd.s32 $0x64, s19;
	s30 =	sadd.s32 $0x2580, s28;
	[sflag:s13] =	ssyncadd.s32 $0xFFFFCC00  }
0x10e: {  	[hbm4b:s30+s3] =	stream.linear.scatter [tilespmem:s10], [sflag:$0x1B], $0x3400, $0x38;
	[tilespmem:$0x19A40] =	vst v63  }
0x10f: {  	s18 =	sadd.s32 $0x64, s18;
	s16 =	smov.u32 s25;
	_ =	swait.ge [sflag:s15], $0x3000  }
0x110: {  	p2 =	seq.s32 s16, $0x0;
	s28 =	sadd.s32 $0x2C00, s28;
	[sflag:s15] =	ssyncset.done $0x0  }
0x111: {  	[sflag:s15] =	ssyncadd.s32 $0xFFFFD000;
	s14 =	simm.s32 $0x16A40;
	s24 =	simm.s32 @!p2 $0x15  }
0x112: {  	[hbm4b:s28+s3] =	stream.linear.scatter [tilespmem:s14], [sflag:$0x1C], $0x3000, $0x38;
	[tilespmem:$0x19A40] =	vst v63  }
0x113: {  	_ =	swait.ge @!p2 [sflag:s24], $0x3400  }
0x114: {  	[sflag:s24] =	ssyncset.done @!p2 $0x0  }
0x115: {  	[sflag:s24] =	ssyncadd.s32 @!p2 $0xFFFFCC00;
	s24 =	simm.s32 @!p2 $0x16  }
0x116: {  	_ =	swait.ge @!p2 [sflag:s24], $0x3000  }
0x117: {  	[sflag:s24] =	ssyncset.done @!p2 $0x0  }
0x118: {  	[sflag:s24] =	ssyncadd.s32 @!p2 $0xFFFFD000;
	s24 =	simm.s32 $0xA40  }
0x119: {  	[tilespmem:s24], [sflag:$0x1] =	stream.linear.gather [spmem:s2], $0x3400, $0x38;
	[tilespmem:$0x19A40] =	vst v63  }
0x11a: {  	s25 =	simm.s32 $0x3E40  }
0x11b: {  	[tilespmem:s25], [sflag:$0x2] =	stream.linear.gather [spmem:s5], $0x3000, $0x38;
	[tilespmem:$0x19A40] =	vst v63  }
0x11c: {  	s0 =	simm.s32 $0x640  }
0x11d: {  	[tilespmem:s0], [sflag:$0x9] =	stream.linear.gather [hbm4b:s22+s3], $0xC8, $0x38;
	[tilespmem:$0x19A40] =	vst v63  }
0x11e: {  	s22 =	simm.s32 @!p2 $0x17  }
0x11f: {  	_ =	swait.ge @!p2 [sflag:s22], $0x3400  }
0x120: {  	[sflag:s22] =	ssyncset.done @!p2 $0x0  }
0x121: {  	[sflag:s22] =	ssyncadd.s32 @!p2 $0xFFFFCC00;
	s22 =	simm.s32 @!p2 $0x18  }
0x122: {  	_ =	swait.ge @!p2 [sflag:s22], $0x3000  }
0x123: {  	[sflag:s22] =	ssyncset.done @!p2 $0x0  }
0x124: {  	s4 =	simm.s32 $0x6E40;
	[sflag:s22] =	ssyncadd.s32 @!p2 $0xFFFFD000  }
0x125: {  	[tilespmem:s4], [sflag:$0x3] =	stream.linear.gather [spmem:s2], $0x3400, $0x38;
	[tilespmem:$0x19A40] =	vst v63  }
0x126: {  	s6 =	simm.s32 $0xA240  }
0x127: {  	[tilespmem:s6], [sflag:$0x4] =	stream.linear.gather [spmem:s5], $0x3000, $0x38;
	[tilespmem:$0x19A40] =	vst v63  }
0x128: {  	s11 =	simm.s32 $0x740  }
0x129: {  	[tilespmem:s11], [sflag:$0xA] =	stream.linear.gather [hbm4b:s21+s3], $0xC8, $0x38;
	[tilespmem:$0x19A40] =	vst v63  }
0x12a: {  	s21 =	simm.s32 @!p2 $0x19  }
0x12b: {  	_ =	swait.ge @!p2 [sflag:s21], $0x3400  }
0x12c: {  	[sflag:s21] =	ssyncset.done @!p2 $0x0  }
0x12d: {  	[sflag:s21] =	ssyncadd.s32 @!p2 $0xFFFFCC00;
	s21 =	simm.s32 @!p2 $0x1A  }
0x12e: {  	_ =	swait.ge @!p2 [sflag:s21], $0x3000  }
0x12f: {  	[sflag:s21] =	ssyncset.done @!p2 $0x0  }
0x130: {  	s7 =	simm.s32 $0xD240;
	[sflag:s21] =	ssyncadd.s32 @!p2 $0xFFFFD000  }
0x131: {  	[tilespmem:s7], [sflag:$0x5] =	stream.linear.gather [spmem:s2], $0x3400, $0x38;
	[tilespmem:$0x19A40] =	vst v63  }
0x132: {  	s8 =	simm.s32 $0x10640  }
0x133: {  	[tilespmem:s8], [sflag:$0x6] =	stream.linear.gather [spmem:s5], $0x3000, $0x38;
	[tilespmem:$0x19A40] =	vst v63  }
0x134: {  	s9 =	simm.s32 $0x840  }
0x135: {  	[tilespmem:s9], [sflag:$0xB] =	stream.linear.gather [hbm4b:s19+s3], $0xC8, $0x38;
	[tilespmem:$0x19A40] =	vst v63  }
0x136: {  	s19 =	simm.s32 @!p2 $0x1B  }
0x137: {  	_ =	swait.ge @!p2 [sflag:s19], $0x3400  }
0x138: {  	[sflag:s19] =	ssyncset.done @!p2 $0x0  }
0x139: {  	[sflag:s19] =	ssyncadd.s32 @!p2 $0xFFFFCC00;
	s19 =	simm.s32 @!p2 $0x1C  }
0x13a: {  	_ =	swait.ge @!p2 [sflag:s19], $0x3000  }
0x13b: {  	[sflag:s19] =	ssyncset.done @!p2 $0x0  }
0x13c: {  	s10 =	simm.s32 $0x13640;
	[sflag:s19] =	ssyncadd.s32 @!p2 $0xFFFFD000  }
0x13d: {  	[tilespmem:s10], [sflag:$0x7] =	stream.linear.gather [spmem:s2], $0x3400, $0x38;
	[tilespmem:$0x19A40] =	vst v63  }
0x13e: {  	_ = 	snop  }
0x13f: {  	[tilespmem:s14], [sflag:$0x8] =	stream.linear.gather [spmem:s5], $0x3000, $0x38;
	[tilespmem:$0x19A40] =	vst v63  }
0x140: {  	s17 =	simm.s32 $0x940;
	s30 =	simm.s32 $0x9  }
0x141: {  	[tilespmem:s17], [sflag:$0xC] =	stream.linear.gather [hbm4b:s18+s3], $0xC8, $0x38;
	[tilespmem:$0x19A40] =	vst v63  }
0x142: {  	_ =	swait.ge [sflag:s30], $0xC8  }
0x143: {  	[sflag:s30] =	ssyncset.done $0x0  }
0x144: {  	s19 =	simm.s32 $0x1;
	[sflag:s30] =	ssyncadd.s32 $0xFFFFFF38  }
0x145: {  	_ =	swait.ge [sflag:s19], $0x3400  }
0x146: {  	[sflag:s19] =	ssyncset.done $0x0  }
0x147: {  	s21 =	simm.s32 $0x2;
	[sflag:s19] =	ssyncadd.s32 $0xFFFFCC00  }
0x148: {  	[tilespmem:s24], [sflag:$0xD] =	stream.indirect.gather.add.f32 [hbm:s1], $0x80, s0, s26, $0xb8;
	[tilespmem:$0x19A40] =	vst v63  }
0x149: {  	_ =	swait.ge [sflag:s21], $0x3000  }
0x14a: {  	[sflag:s21] =	ssyncset.done $0x0  }
0x14b: {  	s28 =	simm.s32 $0xA;
	s22 =	rddreg [dreg:$0x6];
	[sflag:s21] =	ssyncadd.s32 $0xFFFFD000  }
0x14c: {  	[tilespmem:s25], [sflag:$0xE] =	stream.indirect.gather.add.f32 [hbm:s1], $0x80, s22, s29, $0xb8;
	[tilespmem:$0x19A40] =	vst v63  }
0x14d: {  	_ =	swait.ge [sflag:s28], $0xC8  }
0x14e: {  	[sflag:s28] =	ssyncset.done $0x0  }
0x14f: {  	s30 =	simm.s32 $0x3;
	[sflag:s28] =	ssyncadd.s32 $0xFFFFFF38  }
0x150: {  	_ =	swait.ge [sflag:s30], $0x3400  }
0x151: {  	[sflag:s30] =	ssyncset.done $0x0  }
0x152: {  	s18 =	simm.s32 $0x4;
	[sflag:s30] =	ssyncadd.s32 $0xFFFFCC00  }
0x153: {  	[tilespmem:s4], [sflag:$0xF] =	stream.indirect.gather.add.f32 [hbm:s1], $0x80, s11, s26, $0xb8;
	[tilespmem:$0x19A40] =	vst v63  }
0x154: {  	_ =	swait.ge [sflag:s18], $0x3000  }
0x155: {  	[sflag:s18] =	ssyncset.done $0x0  }
0x156: {  	s21 =	simm.s32 $0xB;
	s19 =	rddreg [dreg:$0x7];
	[sflag:s18] =	ssyncadd.s32 $0xFFFFD000  }
0x157: {  	[tilespmem:s6], [sflag:$0x10] =	stream.indirect.gather.add.f32 [hbm:s1], $0x80, s19, s29, $0xb8;
	[tilespmem:$0x19A40] =	vst v63  }
0x158: {  	_ =	swait.ge [sflag:s21], $0xC8  }
0x159: {  	[sflag:s21] =	ssyncset.done $0x0  }
0x15a: {  	s22 =	simm.s32 $0x5;
	[sflag:s21] =	ssyncadd.s32 $0xFFFFFF38  }
0x15b: {  	_ =	swait.ge [sflag:s22], $0x3400  }
0x15c: {  	[sflag:s22] =	ssyncset.done $0x0  }
0x15d: {  	s28 =	simm.s32 $0x6;
	[sflag:s22] =	ssyncadd.s32 $0xFFFFCC00  }
0x15e: {  	[tilespmem:s7], [sflag:$0x11] =	stream.indirect.gather.add.f32 [hbm:s1], $0x80, s9, s26, $0xb8;
	[tilespmem:$0x19A40] =	vst v63  }
0x15f: {  	_ =	swait.ge [sflag:s28], $0x3000  }
0x160: {  	[sflag:s28] =	ssyncset.done $0x0  }
0x161: {  	s9 =	simm.s32 $0xC;
	s30 =	rddreg [dreg:$0x8];
	[sflag:s28] =	ssyncadd.s32 $0xFFFFD000  }
0x162: {  	[tilespmem:s8], [sflag:$0x12] =	stream.indirect.gather.add.f32 [hbm:s1], $0x80, s30, s29, $0xb8;
	[tilespmem:$0x19A40] =	vst v63  }
0x163: {  	_ =	swait.ge [sflag:s9], $0xC8  }
0x164: {  	[sflag:s9] =	ssyncset.done $0x0  }
0x165: {  	s11 =	simm.s32 $0x7;
	[sflag:s9] =	ssyncadd.s32 $0xFFFFFF38  }
0x166: {  	_ =	swait.ge [sflag:s11], $0x3400  }
0x167: {  	[sflag:s11] =	ssyncset.done $0x0  }
0x168: {  	s18 =	simm.s32 $0x8;
	[sflag:s11] =	ssyncadd.s32 $0xFFFFCC00  }
0x169: {  	[tilespmem:s10], [sflag:$0x13] =	stream.indirect.gather.add.f32 [hbm:s1], $0x80, s17, s26, $0xb8;
	[tilespmem:$0x19A40] =	vst v63  }
0x16a: {  	_ =	swait.ge [sflag:s18], $0x3000  }
0x16b: {  	[sflag:s18] =	ssyncset.done $0x0  }
0x16c: {  	s21 =	simm.s32 $0xD;
	s19 =	rddreg [dreg:$0x9];
	[sflag:s18] =	ssyncadd.s32 $0xFFFFD000  }
0x16d: {  	[tilespmem:s14], [sflag:$0x14] =	stream.indirect.gather.add.f32 [hbm:s1], $0x80, s19, s29, $0xb8;
	[tilespmem:$0x19A40] =	vst v63  }
0x16e: {  	_ =	swait.ge [sflag:s21], $0x3400  }
0x16f: {  	s22 =	rddreg [dreg:$0x5];
	[sflag:s21] =	ssyncset.done $0x0  }
0x170: {  	s28 =	simm.s32 $0xE;
	[sflag:s21] =	ssyncadd.s32 $0xFFFFCC00;
	s16 =	sadd.s32 s16, s22  }
0x171: {  	[hbm4b:s16+s3] =	stream.linear.scatter [tilespmem:s24], [sflag:$0x15], $0x3400, $0x38;
	[tilespmem:$0x19A40] =	vst v63  }
0x172: {  	_ =	swait.ge [sflag:s28], $0x3000  }
0x173: {  	[sflag:s28] =	ssyncset.done $0x0  }
0x174: {  	s30 =	simm.s32 $0xF;
	s18 =	sadd.s32 $0x680, s16;
	[sflag:s28] =	ssyncadd.s32 $0xFFFFD000  }
0x175: {  	[hbm4b:s18+s3] =	stream.linear.scatter [tilespmem:s25], [sflag:$0x16], $0x3000, $0x38;
	[tilespmem:$0x19A40] =	vst v63  }
0x176: {  	_ =	swait.ge [sflag:s30], $0x3400  }
0x177: {  	[sflag:s30] =	ssyncset.done $0x0  }
0x178: {  	s0 =	sadd.s32 $0xC80, s16;
	[sflag:s30] =	ssyncadd.s32 $0xFFFFCC00  }
0x179: {  	[hbm4b:s0+s3] =	stream.linear.scatter [tilespmem:s4], [sflag:$0x17], $0x3400, $0x38;
	[tilespmem:$0x19A40] =	vst v63  }
0x17a: {  	_ =	swait.ge [sflag:s20], $0x3000  }
0x17b: {  	[sflag:s20] =	ssyncset.done $0x0  }
0x17c: {  	s4 =	sadd.s32 $0x1300, s16;
	[sflag:s20] =	ssyncadd.s32 $0xFFFFD000  }
0x17d: {  	[hbm4b:s4+s3] =	stream.linear.scatter [tilespmem:s6], [sflag:$0x18], $0x3000, $0x38;
	[tilespmem:$0x19A40] =	vst v63  }
0x17e: {  	_ =	swait.ge [sflag:s23], $0x3400  }
0x17f: {  	[sflag:s23] =	ssyncset.done $0x0  }
0x180: {  	s6 =	sadd.s32 $0x1900, s16;
	[sflag:s23] =	ssyncadd.s32 $0xFFFFCC00  }
0x181: {  	[hbm4b:s6+s3] =	stream.linear.scatter [tilespmem:s7], [sflag:$0x19], $0x3400, $0x38;
	[tilespmem:$0x19A40] =	vst v63  }
0x182: {  	_ =	swait.ge [sflag:s12], $0x3000  }
0x183: {  	[sflag:s12] =	ssyncset.done $0x0  }
0x184: {  	s9 =	sadd.s32 $0x1F80, s16;
	[sflag:s12] =	ssyncadd.s32 $0xFFFFD000  }
0x185: {  	[hbm4b:s9+s3] =	stream.linear.scatter [tilespmem:s8], [sflag:$0x1A], $0x3000, $0x38;
	[tilespmem:$0x19A40] =	vst v63  }
0x186: {  	_ =	swait.ge [sflag:s13], $0x3400  }
0x187: {  	[sflag:s13] =	ssyncset.done $0x0  }
0x188: {  	s11 =	sadd.s32 $0x2580, s16;
	[sflag:s13] =	ssyncadd.s32 $0xFFFFCC00  }
0x189: {  	[hbm4b:s11+s3] =	stream.linear.scatter [tilespmem:s10], [sflag:$0x1B], $0x3400, $0x38;
	[tilespmem:$0x19A40] =	vst v63  }
0x18a: {  	_ =	swait.ge [sflag:s15], $0x3000  }
0x18b: {  	[sflag:s15] =	ssyncset.done $0x0  }
0x18c: {  	s16 =	sadd.s32 $0x2C00, s16;
	[sflag:s15] =	ssyncadd.s32 $0xFFFFD000  }
0x18d: {  	[hbm4b:s16+s3] =	stream.linear.scatter [tilespmem:s14], [sflag:$0x1C], $0x3000, $0x38;
	[tilespmem:$0x19A40] =	vst v63  }
0x18e: {  	s16 =	simm.s32 $0x15  }
0x18f: {  	_ =	swait.ge [sflag:s16], $0x3400  }
0x190: {  	[sflag:s16] =	ssyncset.done $0x0  }
0x191: {  	s17 =	simm.s32 $0x16;
	[sflag:s16] =	ssyncadd.s32 $0xFFFFCC00  }
0x192: {  	_ =	swait.ge [sflag:s17], $0x3000  }
0x193: {  	[sflag:s17] =	ssyncset.done $0x0  }
0x194: {  	s18 =	simm.s32 $0x17;
	[sflag:s17] =	ssyncadd.s32 $0xFFFFD000  }
0x195: {  	_ =	swait.ge [sflag:s18], $0x3400  }
0x196: {  	[sflag:s18] =	ssyncset.done $0x0  }
0x197: {  	s19 =	simm.s32 $0x18;
	[sflag:s18] =	ssyncadd.s32 $0xFFFFCC00  }
0x198: {  	_ =	swait.ge [sflag:s19], $0x3000  }
0x199: {  	[sflag:s19] =	ssyncset.done $0x0  }
0x19a: {  	s21 =	simm.s32 $0x19;
	[sflag:s19] =	ssyncadd.s32 $0xFFFFD000  }
0x19b: {  	_ =	swait.ge [sflag:s21], $0x3400  }
0x19c: {  	[sflag:s21] =	ssyncset.done $0x0  }
0x19d: {  	s22 =	simm.s32 $0x1A;
	[sflag:s21] =	ssyncadd.s32 $0xFFFFCC00  }
0x19e: {  	_ =	swait.ge [sflag:s22], $0x3000  }
0x19f: {  	[sflag:s22] =	ssyncset.done $0x0  }
0x1a0: {  	s24 =	simm.s32 $0x1B;
	[sflag:s22] =	ssyncadd.s32 $0xFFFFD000  }
0x1a1: {  	_ =	swait.ge [sflag:s24], $0x3400  }
0x1a2: {  	[sflag:s24] =	ssyncset.done $0x0  }
0x1a3: {  	s25 =	simm.s32 $0x1C;
	[sflag:s24] =	ssyncadd.s32 $0xFFFFCC00  }
0x1a4: {  	_ =	swait.ge [sflag:s25], $0x3000  }
0x1a5: {  	s28 =	rddreg [dreg:$0x11]  }
0x1a6: {  	s30 =	rddreg [dreg:$0xb];
	s4 =	sadd.s32 $0x1, s28  }
0x1a7: {  	p1 =	sne.s32 s4, s30  }
.Ltmp1:
0x1a8: {  	_ = 	snop;
	(pc) =	sbr.rel @p1 .LBB2_1-.Ltmp1, $3  }
0x1a9: {  	_ =	sdelay $0x1  }
0x1aa: {  	[sflag:s25] =	ssyncset.done $0x0  }
0x1ab: {  	[sflag:s25] =	ssyncadd.s32 $0xFFFFD000  }
0x1ac: {  	_ =	sfence.sel $0x180000  }
0x1ad: {  	[bflag:$0x0] =	sbarrier.arrive $0xFFFF  }
0x1ae: {  	_ =	strace $0x90000047  }
0x1af: {  	[bflag:$0x2] =	sbarrier.arrive $0xFFFF  }
0x1b0: {  	s0 =	rddreg [dreg:$0x4]  }
0x1b1: {  	s0 =	sadd.s32 @!p0 $0x100000, s0  }
0x1b2: {  	[sflag:s0] =	ssyncadd.tile.s32 @!p0 $0x1;
	_ =	shalt  }
.Lfunc_end2:
_tile_overlayer_lowered:
.L_overlay_start_2:
0x1b3: {  	(tag) =	ssettag $0x2  }
0x1b4: {  	s0 =	rddreg [dreg:$0x0];
	s2 =	stileid.u32  }
0x1b5: {  	s1 =	rddreg [dreg:$0x1];
	p0 =	sne.s32 s2, $0x0  }
0x1b6: {  	s3 =	rddreg [dreg:$0x2];
	[bflag:$0x3] =	sbarrier.arrive $0xFFFF;
	s2 =	simm.s32 @!p0 $0x1C1D  }
0x1b7: {  	[timem:s3], [sflag:s2] =	dma.local @!p0 [hbm:s0], s1  }
0x1b8: {  	s0 =	simm.s32 @!p0 $0x1D  }
0x1b9: {  	_ =	swait.ge @!p0 [sflag:s0], s1  }
0x1ba: {  	s1 =	ssub.s32 @!p0 $0x0, s1;
	[sflag:s0] =	ssyncset.done @!p0 $0x0  }
0x1bb: {  	[sflag:s0] =	ssyncadd.s32 @!p0 s1  }
0x1bc: {  	[bflag:$0x3] =	sbarrier.arrive $0xFFFF  }
0x1bd: {  	_ =	shalt  }

</sc_bundles>
